<compile_context>
chip_gen: v7x
topology: tpu7x:2x2x1
jax: 0.10.2.dev20260603
libtpu: 0.0.44.dev20260713+nightly
codegen_flags: <defaults>
</compile_context>

<pallas_src>
import functools

import jax
import jax.numpy as jnp
from jax import lax
from jax.experimental import pallas as pl
from jax.experimental.pallas import tpu as pltpu
from jax.experimental.pallas import tpu_sc as plsc

_BATCH = 4096
_SEQ = 200
_D = 64
_TABLE = 201
_KPAD = 208
_BPR = 256
_WPR = _BPR // 4

_INFO = plsc.get_sparse_core_info()
_NC = _INFO.num_cores
_NS = _INFO.num_subcores
_LANES = _INFO.num_lanes
_NW = _NC * _NS
_ROWS = _BATCH // _NW
_GROUPS = _ROWS // _LANES

_mesh = plsc.VectorSubcoreMesh(core_axis_name="c", subcore_axis_name="s")


@functools.partial(
    pl.kernel,
    out_type=jax.ShapeDtypeStruct((_BATCH, _KPAD), jnp.float32),
    mesh=_mesh,
    compiler_params=pltpu.CompilerParams(needs_layout_passes=False),
    scratch_types=[
        pltpu.VMEM((_ROWS * _WPR,), jnp.int32),
        pltpu.VMEM((_ROWS, _KPAD), jnp.float32),
    ],
)
def _histogram(pos_hbm, counts_hbm, pos_v, cnt_v):
    wid = lax.axis_index("s") * _NC + lax.axis_index("c")
    base = wid * _ROWS

    pltpu.sync_copy(pos_hbm.at[pl.ds(base * _WPR, _ROWS * _WPR)], pos_v)

    ones = jnp.ones((_LANES,), jnp.float32)
    zeros = jnp.zeros((_LANES,), jnp.float32)

    _UNROLL = 4

    def row_body(i, _):
        rows = [i * _UNROLL + k for k in range(_UNROLL)]
        for r in rows:
            for u in range(_KPAD // _LANES):
                cnt_v[r, pl.ds(u * _LANES, _LANES)] = zeros
        rvecs = [jnp.full((_LANES,), r, jnp.int32) for r in rows]
        for c in range(_WPR // _LANES):
            ws = [
                pos_v[pl.ds(r * _WPR + c * _LANES, _LANES)] for r in rows
            ]
            for b in range(4):
                for rv, w in zip(rvecs, ws):
                    p = lax.shift_right_logical(w, 8 * b) & 255
                    plsc.addupdate_scatter(
                        cnt_v, [rv, p], ones, mask=p < _TABLE
                    )
        return 0
    lax.fori_loop(0, _ROWS // _UNROLL, row_body, 0)

    pltpu.sync_copy(cnt_v, counts_hbm.at[pl.ds(base, _ROWS), :])


def _tc_body(x_ref, c_ref, pe_ref, o_ref):
    o_ref[...] = x_ref[...] + jnp.dot(
        c_ref[...], pe_ref[...], preferred_element_type=jnp.float32
    )


def kernel(x, positions, pe):
    posp = jnp.pad(
        positions.astype(jnp.int32),
        ((0, 0), (0, _BPR - _SEQ)),
        constant_values=255,
    )
    pos_packed = (
        posp[:, 0:64]
        | (posp[:, 64:128] << 8)
        | (posp[:, 128:192] << 16)
        | (posp[:, 192:256] << 24)
    ).reshape(-1)
    counts = _histogram(pos_packed)
    pe_pad = jnp.concatenate(
        [pe[0], jnp.zeros((_KPAD - _TABLE, _D), pe.dtype)], axis=0
    )

    grid = 2
    rows = _BATCH // grid
    out = pl.pallas_call(
        _tc_body,
        grid=(grid,),
        in_specs=[
            pl.BlockSpec((rows, _D), lambda i: (i, 0)),
            pl.BlockSpec((rows, _KPAD), lambda i: (i, 0)),
            pl.BlockSpec((_KPAD, _D), lambda i: (0, 0)),
        ],
        out_specs=pl.BlockSpec((rows, _D), lambda i: (i, 0)),
        out_shape=jax.ShapeDtypeStruct((_BATCH, _D), jnp.float32),
    )(x, counts, pe_pad)
    return out

# --- scband reference (transcript-rebuilt; emitter-appended) ---
"""Pipeline reference for scband-positional-encoding-16973710754054 (READ-ONLY COPY).

The authoritative reference and input builder live on the scoring server;
editing this copy changes nothing except your own understanding.
"""

import jax, jax.numpy as jnp
import numpy as np
import math

BATCH = 4096
D_MODEL = 64
MAX_LEN = 200


def _build_pe():
    position = np.arange(0, MAX_LEN, dtype=np.float32)[:, None]
    div_term = np.exp(np.arange(0, D_MODEL, 2, dtype=np.float32) * -(math.log(10000.0) / D_MODEL))
    pe = np.zeros((MAX_LEN, D_MODEL), dtype=np.float32)
    pe[:, 0::2] = np.sin(position * div_term)
    pe[:, 1::2] = np.cos(position * div_term)
    pe = np.concatenate([pe, np.zeros((1, D_MODEL), dtype=np.float32)], axis=0)
    return jnp.asarray(pe[None])  # [1, MAX_LEN+1, D_MODEL]


def setup_inputs(seed: int = 0) -> dict:
    key = jax.random.key(seed)
    k1, k2 = jax.random.split(key)
    x = jax.random.normal(k1, (BATCH, D_MODEL), dtype=jnp.float32)
    positions = jax.random.randint(k2, (BATCH, MAX_LEN), 0, MAX_LEN + 1)
    pe = _build_pe()
    return {"x": x, "positions": positions, "pe": pe}


def reference(x, positions, pe):
    batch_size, d_model = x.shape
    _, max_len = positions.shape
    P = pe.shape[1]
    pos = (positions + P) % P
    relevant = jnp.take(pe[0], pos.reshape(-1), axis=0)
    relevant = relevant.reshape(batch_size, max_len, d_model)
    relevant = jnp.sum(relevant, axis=1)
    out = x + jax.lax.stop_gradient(relevant)
    # nn.Dropout in eval mode is identity; reference runs deterministic eval-mode.
    return out

if __name__ == "__main__":
    import jax
    _d = setup_inputs()
    print(jax.jit(kernel)(*tuple(_d.values())))

</pallas_src>

<mosaic_0001>
#map = affine_map<(d0, d1) -> (0)>
#map1 = affine_map<(d0, d1) -> (0, 0)>
module attributes {stable_mosaic.version = 14 : i64} {
  func.func @_histogram(%arg0: i32, %arg1: i32, %arg2: memref<262144xi32, #tpu.memory_space<hbm>>, %arg3: memref<4096x208xf32, #tpu.memory_space<hbm>>, %arg4: memref<8192xi32, #tpu.memory_space<vmem>>, %arg5: memref<128x208xf32, #tpu.memory_space<vmem>>) attributes {dimension_semantics = [#tpu.dimension_semantics<core_parallel>, #tpu.dimension_semantics<subcore_parallel>], iteration_bounds = array<i64: 2, 16>, scalar_prefetch = 0 : i64, scratch_operands = 2 : i64, tpu.core_type = #tpu.core_type<sc_vector_subcore>, window_params = [{transform_indices = #map}, {transform_indices = #map1}]} {
    %mul3A = arith.constant 2 : i32
    %mul3A_0 = arith.muli %arg1, %mul3A : i32
    %add3A = arith.addi %mul3A_0, %arg0 : i32
    %mul3A_1 = arith.constant 128 : i32
    %mul3A_2 = arith.muli %add3A, %mul3A_1 : i32
    %mul3A_3 = arith.constant 64 : i32
    %mul3A_4 = arith.muli %mul3A_2, %mul3A_3 : i32
    "tpu.region"() ({
      %run_scoped3A = tpu.sem_alloc : memref<!tpu.dma_semaphore, #tpu.memory_space<semaphore_mem>>
      %dma_start3A = tpu.memref_slice %arg2[%mul3A_4] : memref<262144xi32, #tpu.memory_space<hbm>> -> memref<8192xi32, #tpu.memory_space<hbm>>
      %dma_start3A_14 = tpu.memref_slice %arg2[%mul3A_4] : memref<262144xi32, #tpu.memory_space<hbm>> -> memref<8192xi32, #tpu.memory_space<hbm>>
      tpu.enqueue_dma source(%dma_start3A_14 : memref<8192xi32, #tpu.memory_space<hbm>>) target(%arg4 : memref<8192xi32, #tpu.memory_space<vmem>>) target_semaphore(%run_scoped3A : memref<!tpu.dma_semaphore, #tpu.memory_space<semaphore_mem>>)
      %dma_wait3A = tpu.memref_slice %arg2[%mul3A_4] : memref<262144xi32, #tpu.memory_space<hbm>> -> memref<8192xi32, #tpu.memory_space<hbm>>
      %dma_wait3A_15 = tpu.memref_slice %arg2[%mul3A_4] : memref<262144xi32, #tpu.memory_space<hbm>> -> memref<8192xi32, #tpu.memory_space<hbm>>
      tpu.wait_dma2 semaphore(%run_scoped3A : memref<!tpu.dma_semaphore, #tpu.memory_space<semaphore_mem>>) src(%dma_wait3A_15 : memref<8192xi32, #tpu.memory_space<hbm>>) dst(%arg4 : memref<8192xi32, #tpu.memory_space<vmem>>)
      tpu.yield
    }) : () -> ()
    %broadcast_in_dim3A = arith.constant 1.000000e+00 : f32
    %broadcast_in_dim3A_5 = vector.broadcast %broadcast_in_dim3A : f32 to vector<16xf32>
    %broadcast_in_dim3A_6 = arith.constant 0.000000e+00 : f32
    %broadcast_in_dim3A_7 = vector.broadcast %broadcast_in_dim3A_6 : f32 to vector<16xf32>
    %scan3A = arith.constant 0 : i32
    %scan3A_8 = arith.constant 0 : i32
    %scan3A_9 = arith.constant 32 : i32
    %scan3A_10 = arith.addi %scan3A_8, %scan3A_9 : i32
    %scan3A_11 = arith.constant 1 : i32
    %scan3A_12 = scf.for %scan3A_14 = %scan3A_8 to %scan3A_10 step %scan3A_11 iter_args(%scan3A_15 = %scan3A) -> (i32)  : i32 {
      %mul3A_16 = arith.constant 4 : i32
      %mul3A_17 = arith.muli %scan3A_14, %mul3A_16 : i32
      %add3A_18 = arith.constant 0 : i32
      %add3A_19 = arith.addi %mul3A_17, %add3A_18 : i32
      %mul3A_20 = arith.constant 4 : i32
      %mul3A_21 = arith.muli %scan3A_14, %mul3A_20 : i32
      %add3A_22 = arith.constant 1 : i32
      %add3A_23 = arith.addi %mul3A_21, %add3A_22 : i32
      %mul3A_24 = arith.constant 4 : i32
      %mul3A_25 = arith.muli %scan3A_14, %mul3A_24 : i32
      %add3A_26 = arith.constant 2 : i32
      %add3A_27 = arith.addi %mul3A_25, %add3A_26 : i32
      %mul3A_28 = arith.constant 4 : i32
      %mul3A_29 = arith.muli %scan3A_14, %mul3A_28 : i32
      %add3A_30 = arith.constant 3 : i32
      %add3A_31 = arith.addi %mul3A_29, %add3A_30 : i32
      %swap3A = arith.index_cast %add3A_19 : i32 to index
      %swap3A_32 = arith.constant 0 : index
      %swap3A_33 = tpu.vector_load %arg5[%swap3A, %swap3A_32] {strides = array<i32>} : memref<128x208xf32, #tpu.memory_space<vmem>>, vector<16xf32>,
      tpu.vector_store %arg5[%swap3A, %swap3A_32], %broadcast_in_dim3A_7 {strides = array<i32>} : memref<128x208xf32, #tpu.memory_space<vmem>>, vector<16xf32>,
      %swap3A_34 = arith.index_cast %add3A_19 : i32 to index
      %swap3A_35 = arith.constant 16 : index
      %swap3A_36 = tpu.vector_load %arg5[%swap3A_34, %swap3A_35] {strides = array<i32>} : memref<128x208xf32, #tpu.memory_space<vmem>>, vector<16xf32>,
      tpu.vector_store %arg5[%swap3A_34, %swap3A_35], %broadcast_in_dim3A_7 {strides = array<i32>} : memref<128x208xf32, #tpu.memory_space<vmem>>, vector<16xf32>,
      %swap3A_37 = arith.index_cast %add3A_19 : i32 to index
      %swap3A_38 = arith.constant 32 : index
      %swap3A_39 = tpu.vector_load %arg5[%swap3A_37, %swap3A_38] {strides = array<i32>} : memref<128x208xf32, #tpu.memory_space<vmem>>, vector<16xf32>,
      tpu.vector_store %arg5[%swap3A_37, %swap3A_38], %broadcast_in_dim3A_7 {strides = array<i32>} : memref<128x208xf32, #tpu.memory_space<vmem>>, vector<16xf32>,
      %swap3A_40 = arith.index_cast %add3A_19 : i32 to index
      %swap3A_41 = arith.constant 48 : index
      %swap3A_42 = tpu.vector_load %arg5[%swap3A_40, %swap3A_41] {strides = array<i32>} : memref<128x208xf32, #tpu.memory_space<vmem>>, vector<16xf32>,
      tpu.vector_store %arg5[%swap3A_40, %swap3A_41], %broadcast_in_dim3A_7 {strides = array<i32>} : memref<128x208xf32, #tpu.memory_space<vmem>>, vector<16xf32>,
      %swap3A_43 = arith.index_cast %add3A_19 : i32 to index
      %swap3A_44 = arith.constant 64 : index
      %swap3A_45 = tpu.vector_load %arg5[%swap3A_43, %swap3A_44] {strides = array<i32>} : memref<128x208xf32, #tpu.memory_space<vmem>>, vector<16xf32>,
      tpu.vector_store %arg5[%swap3A_43, %swap3A_44], %broadcast_in_dim3A_7 {strides = array<i32>} : memref<128x208xf32, #tpu.memory_space<vmem>>, vector<16xf32>,
      %swap3A_46 = arith.index_cast %add3A_19 : i32 to index
      %swap3A_47 = arith.constant 80 : index
      %swap3A_48 = tpu.vector_load %arg5[%swap3A_46, %swap3A_47] {strides = array<i32>} : memref<128x208xf32, #tpu.memory_space<vmem>>, vector<16xf32>,
      tpu.vector_store %arg5[%swap3A_46, %swap3A_47], %broadcast_in_dim3A_7 {strides = array<i32>} : memref<128x208xf32, #tpu.memory_space<vmem>>, vector<16xf32>,
      %swap3A_49 = arith.index_cast %add3A_19 : i32 to index
      %swap3A_50 = arith.constant 96 : index
      %swap3A_51 = tpu.vector_load %arg5[%swap3A_49, %swap3A_50] {strides = array<i32>} : memref<128x208xf32, #tpu.memory_space<vmem>>, vector<16xf32>,
      tpu.vector_store %arg5[%swap3A_49, %swap3A_50], %broadcast_in_dim3A_7 {strides = array<i32>} : memref<128x208xf32, #tpu.memory_space<vmem>>, vector<16xf32>,
      %swap3A_52 = arith.index_cast %add3A_19 : i32 to index
      %swap3A_53 = arith.constant 112 : index
      %swap3A_54 = tpu.vector_load %arg5[%swap3A_52, %swap3A_53] {strides = array<i32>} : memref<128x208xf32, #tpu.memory_space<vmem>>, vector<16xf32>,
      tpu.vector_store %arg5[%swap3A_52, %swap3A_53], %broadcast_in_dim3A_7 {strides = array<i32>} : memref<128x208xf32, #tpu.memory_space<vmem>>, vector<16xf32>,
      %swap3A_55 = arith.index_cast %add3A_19 : i32 to index
      %swap3A_56 = arith.constant 128 : index
      %swap3A_57 = tpu.vector_load %arg5[%swap3A_55, %swap3A_56] {strides = array<i32>} : memref<128x208xf32, #tpu.memory_space<vmem>>, vector<16xf32>,
      tpu.vector_store %arg5[%swap3A_55, %swap3A_56], %broadcast_in_dim3A_7 {strides = array<i32>} : memref<128x208xf32, #tpu.memory_space<vmem>>, vector<16xf32>,
      %swap3A_58 = arith.index_cast %add3A_19 : i32 to index
      %swap3A_59 = arith.constant 144 : index
      %swap3A_60 = tpu.vector_load %arg5[%swap3A_58, %swap3A_59] {strides = array<i32>} : memref<128x208xf32, #tpu.memory_space<vmem>>, vector<16xf32>,
      tpu.vector_store %arg5[%swap3A_58, %swap3A_59], %broadcast_in_dim3A_7 {strides = array<i32>} : memref<128x208xf32, #tpu.memory_space<vmem>>, vector<16xf32>,
      %swap3A_61 = arith.index_cast %add3A_19 : i32 to index
      %swap3A_62 = arith.constant 160 : index
      %swap3A_63 = tpu.vector_load %arg5[%swap3A_61, %swap3A_62] {strides = array<i32>} : memref<128x208xf32, #tpu.memory_space<vmem>>, vector<16xf32>,
      tpu.vector_store %arg5[%swap3A_61, %swap3A_62], %broadcast_in_dim3A_7 {strides = array<i32>} : memref<128x208xf32, #tpu.memory_space<vmem>>, vector<16xf32>,
      %swap3A_64 = arith.index_cast %add3A_19 : i32 to index
      %swap3A_65 = arith.constant 176 : index
      %swap3A_66 = tpu.vector_load %arg5[%swap3A_64, %swap3A_65] {strides = array<i32>} : memref<128x208xf32, #tpu.memory_space<vmem>>, vector<16xf32>,
      tpu.vector_store %arg5[%swap3A_64, %swap3A_65], %broadcast_in_dim3A_7 {strides = array<i32>} : memref<128x208xf32, #tpu.memory_space<vmem>>, vector<16xf32>,
      %swap3A_67 = arith.index_cast %add3A_19 : i32 to index
      %swap3A_68 = arith.constant 192 : index
      %swap3A_69 = tpu.vector_load %arg5[%swap3A_67, %swap3A_68] {strides = array<i32>} : memref<128x208xf32, #tpu.memory_space<vmem>>, vector<16xf32>,
      tpu.vector_store %arg5[%swap3A_67, %swap3A_68], %broadcast_in_dim3A_7 {strides = array<i32>} : memref<128x208xf32, #tpu.memory_space<vmem>>, vector<16xf32>,
      %swap3A_70 = arith.index_cast %add3A_23 : i32 to index
      %swap3A_71 = arith.constant 0 : index
      %swap3A_72 = tpu.vector_load %arg5[%swap3A_70, %swap3A_71] {strides = array<i32>} : memref<128x208xf32, #tpu.memory_space<vmem>>, vector<16xf32>,
      tpu.vector_store %arg5[%swap3A_70, %swap3A_71], %broadcast_in_dim3A_7 {strides = array<i32>} : memref<128x208xf32, #tpu.memory_space<vmem>>, vector<16xf32>,
      %swap3A_73 = arith.index_cast %add3A_23 : i32 to index
      %swap3A_74 = arith.constant 16 : index
      %swap3A_75 = tpu.vector_load %arg5[%swap3A_73, %swap3A_74] {strides = array<i32>} : memref<128x208xf32, #tpu.memory_space<vmem>>, vector<16xf32>,
      tpu.vector_store %arg5[%swap3A_73, %swap3A_74], %broadcast_in_dim3A_7 {strides = array<i32>} : memref<128x208xf32, #tpu.memory_space<vmem>>, vector<16xf32>,
      %swap3A_76 = arith.index_cast %add3A_23 : i32 to index
      %swap3A_77 = arith.constant 32 : index
      %swap3A_78 = tpu.vector_load %arg5[%swap3A_76, %swap3A_77] {strides = array<i32>} : memref<128x208xf32, #tpu.memory_space<vmem>>, vector<16xf32>,
      tpu.vector_store %arg5[%swap3A_76, %swap3A_77], %broadcast_in_dim3A_7 {strides = array<i32>} : memref<128x208xf32, #tpu.memory_space<vmem>>, vector<16xf32>,
      %swap3A_79 = arith.index_cast %add3A_23 : i32 to index
      %swap3A_80 = arith.constant 48 : index
      %swap3A_81 = tpu.vector_load %arg5[%swap3A_79, %swap3A_80] {strides = array<i32>} : memref<128x208xf32, #tpu.memory_space<vmem>>, vector<16xf32>,
      tpu.vector_store %arg5[%swap3A_79, %swap3A_80], %broadcast_in_dim3A_7 {strides = array<i32>} : memref<128x208xf32, #tpu.memory_space<vmem>>, vector<16xf32>,
      %swap3A_82 = arith.index_cast %add3A_23 : i32 to index
      %swap3A_83 = arith.constant 64 : index
      %swap3A_84 = tpu.vector_load %arg5[%swap3A_82, %swap3A_83] {strides = array<i32>} : memref<128x208xf32, #tpu.memory_space<vmem>>, vector<16xf32>,
      tpu.vector_store %arg5[%swap3A_82, %swap3A_83], %broadcast_in_dim3A_7 {strides = array<i32>} : memref<128x208xf32, #tpu.memory_space<vmem>>, vector<16xf32>,
      %swap3A_85 = arith.index_cast %add3A_23 : i32 to index
      %swap3A_86 = arith.constant 80 : index
      %swap3A_87 = tpu.vector_load %arg5[%swap3A_85, %swap3A_86] {strides = array<i32>} : memref<128x208xf32, #tpu.memory_space<vmem>>, vector<16xf32>,
      tpu.vector_store %arg5[%swap3A_85, %swap3A_86], %broadcast_in_dim3A_7 {strides = array<i32>} : memref<128x208xf32, #tpu.memory_space<vmem>>, vector<16xf32>,
      %swap3A_88 = arith.index_cast %add3A_23 : i32 to index
      %swap3A_89 = arith.constant 96 : index
      %swap3A_90 = tpu.vector_load %arg5[%swap3A_88, %swap3A_89] {strides = array<i32>} : memref<128x208xf32, #tpu.memory_space<vmem>>, vector<16xf32>,
      tpu.vector_store %arg5[%swap3A_88, %swap3A_89], %broadcast_in_dim3A_7 {strides = array<i32>} : memref<128x208xf32, #tpu.memory_space<vmem>>, vector<16xf32>,
      %swap3A_91 = arith.index_cast %add3A_23 : i32 to index
      %swap3A_92 = arith.constant 112 : index
      %swap3A_93 = tpu.vector_load %arg5[%swap3A_91, %swap3A_92] {strides = array<i32>} : memref<128x208xf32, #tpu.memory_space<vmem>>, vector<16xf32>,
      tpu.vector_store %arg5[%swap3A_91, %swap3A_92], %broadcast_in_dim3A_7 {strides = array<i32>} : memref<128x208xf32, #tpu.memory_space<vmem>>, vector<16xf32>,
      %swap3A_94 = arith.index_cast %add3A_23 : i32 to index
      %swap3A_95 = arith.constant 128 : index
      %swap3A_96 = tpu.vector_load %arg5[%swap3A_94, %swap3A_95] {strides = array<i32>} : memref<128x208xf32, #tpu.memory_space<vmem>>, vector<16xf32>,
      tpu.vector_store %arg5[%swap3A_94, %swap3A_95], %broadcast_in_dim3A_7 {strides = array<i32>} : memref<128x208xf32, #tpu.memory_space<vmem>>, vector<16xf32>,
      %swap3A_97 = arith.index_cast %add3A_23 : i32 to index
      %swap3A_98 = arith.constant 144 : index
      %swap3A_99 = tpu.vector_load %arg5[%swap3A_97, %swap3A_98] {strides = array<i32>} : memref<128x208xf32, #tpu.memory_space<vmem>>, vector<16xf32>,
      tpu.vector_store %arg5[%swap3A_97, %swap3A_98], %broadcast_in_dim3A_7 {strides = array<i32>} : memref<128x208xf32, #tpu.memory_space<vmem>>, vector<16xf32>,
      %swap3A_100 = arith.index_cast %add3A_23 : i32 to index
      %swap3A_101 = arith.constant 160 : index
      %swap3A_102 = tpu.vector_load %arg5[%swap3A_100, %swap3A_101] {strides = array<i32>} : memref<128x208xf32, #tpu.memory_space<vmem>>, vector<16xf32>,
      tpu.vector_store %arg5[%swap3A_100, %swap3A_101], %broadcast_in_dim3A_7 {strides = array<i32>} : memref<128x208xf32, #tpu.memory_space<vmem>>, vector<16xf32>,
      %swap3A_103 = arith.index_cast %add3A_23 : i32 to index
      %swap3A_104 = arith.constant 176 : index
      %swap3A_105 = tpu.vector_load %arg5[%swap3A_103, %swap3A_104] {strides = array<i32>} : memref<128x208xf32, #tpu.memory_space<vmem>>, vector<16xf32>,
      tpu.vector_store %arg5[%swap3A_103, %swap3A_104], %broadcast_in_dim3A_7 {strides = array<i32>} : memref<128x208xf32, #tpu.memory_space<vmem>>, vector<16xf32>,
      %swap3A_106 = arith.index_cast %add3A_23 : i32 to index
      %swap3A_107 = arith.constant 192 : index
      %swap3A_108 = tpu.vector_load %arg5[%swap3A_106, %swap3A_107] {strides = array<i32>} : memref<128x208xf32, #tpu.memory_space<vmem>>, vector<16xf32>,
      tpu.vector_store %arg5[%swap3A_106, %swap3A_107], %broadcast_in_dim3A_7 {strides = array<i32>} : memref<128x208xf32, #tpu.memory_space<vmem>>, vector<16xf32>,
      %swap3A_109 = arith.index_cast %add3A_27 : i32 to index
      %swap3A_110 = arith.constant 0 : index
      %swap3A_111 = tpu.vector_load %arg5[%swap3A_109, %swap3A_110] {strides = array<i32>} : memref<128x208xf32, #tpu.memory_space<vmem>>, vector<16xf32>,
      tpu.vector_store %arg5[%swap3A_109, %swap3A_110], %broadcast_in_dim3A_7 {strides = array<i32>} : memref<128x208xf32, #tpu.memory_space<vmem>>, vector<16xf32>,
      %swap3A_112 = arith.index_cast %add3A_27 : i32 to index
      %swap3A_113 = arith.constant 16 : index
      %swap3A_114 = tpu.vector_load %arg5[%swap3A_112, %swap3A_113] {strides = array<i32>} : memref<128x208xf32, #tpu.memory_space<vmem>>, vector<16xf32>,
      tpu.vector_store %arg5[%swap3A_112, %swap3A_113], %broadcast_in_dim3A_7 {strides = array<i32>} : memref<128x208xf32, #tpu.memory_space<vmem>>, vector<16xf32>,
      %swap3A_115 = arith.index_cast %add3A_27 : i32 to index
      %swap3A_116 = arith.constant 32 : index
      %swap3A_117 = tpu.vector_load %arg5[%swap3A_115, %swap3A_116] {strides = array<i32>} : memref<128x208xf32, #tpu.memory_space<vmem>>, vector<16xf32>,
      tpu.vector_store %arg5[%swap3A_115, %swap3A_116], %broadcast_in_dim3A_7 {strides = array<i32>} : memref<128x208xf32, #tpu.memory_space<vmem>>, vector<16xf32>,
      %swap3A_118 = arith.index_cast %add3A_27 : i32 to index
      %swap3A_119 = arith.constant 48 : index
      %swap3A_120 = tpu.vector_load %arg5[%swap3A_118, %swap3A_119] {strides = array<i32>} : memref<128x208xf32, #tpu.memory_space<vmem>>, vector<16xf32>,
      tpu.vector_store %arg5[%swap3A_118, %swap3A_119], %broadcast_in_dim3A_7 {strides = array<i32>} : memref<128x208xf32, #tpu.memory_space<vmem>>, vector<16xf32>,
      %swap3A_121 = arith.index_cast %add3A_27 : i32 to index
      %swap3A_122 = arith.constant 64 : index
      %swap3A_123 = tpu.vector_load %arg5[%swap3A_121, %swap3A_122] {strides = array<i32>} : memref<128x208xf32, #tpu.memory_space<vmem>>, vector<16xf32>,
      tpu.vector_store %arg5[%swap3A_121, %swap3A_122], %broadcast_in_dim3A_7 {strides = array<i32>} : memref<128x208xf32, #tpu.memory_space<vmem>>, vector<16xf32>,
      %swap3A_124 = arith.index_cast %add3A_27 : i32 to index
      %swap3A_125 = arith.constant 80 : index
      %swap3A_126 = tpu.vector_load %arg5[%swap3A_124, %swap3A_125] {strides = array<i32>} : memref<128x208xf32, #tpu.memory_space<vmem>>, vector<16xf32>,
      tpu.vector_store %arg5[%swap3A_124, %swap3A_125], %broadcast_in_dim3A_7 {strides = array<i32>} : memref<128x208xf32, #tpu.memory_space<vmem>>, vector<16xf32>,
      %swap3A_127 = arith.index_cast %add3A_27 : i32 to index
      %swap3A_128 = arith.constant 96 : index
      %swap3A_129 = tpu.vector_load %arg5[%swap3A_127, %swap3A_128] {strides = array<i32>} : memref<128x208xf32, #tpu.memory_space<vmem>>, vector<16xf32>,
      tpu.vector_store %arg5[%swap3A_127, %swap3A_128], %broadcast_in_dim3A_7 {strides = array<i32>} : memref<128x208xf32, #tpu.memory_space<vmem>>, vector<16xf32>,
      %swap3A_130 = arith.index_cast %add3A_27 : i32 to index
      %swap3A_131 = arith.constant 112 : index
      %swap3A_132 = tpu.vector_load %arg5[%swap3A_130, %swap3A_131] {strides = array<i32>} : memref<128x208xf32, #tpu.memory_space<vmem>>, vector<16xf32>,
      tpu.vector_store %arg5[%swap3A_130, %swap3A_131], %broadcast_in_dim3A_7 {strides = array<i32>} : memref<128x208xf32, #tpu.memory_space<vmem>>, vector<16xf32>,
      %swap3A_133 = arith.index_cast %add3A_27 : i32 to index
      %swap3A_134 = arith.constant 128 : index
      %swap3A_135 = tpu.vector_load %arg5[%swap3A_133, %swap3A_134] {strides = array<i32>} : memref<128x208xf32, #tpu.memory_space<vmem>>, vector<16xf32>,
      tpu.vector_store %arg5[%swap3A_133, %swap3A_134], %broadcast_in_dim3A_7 {strides = array<i32>} : memref<128x208xf32, #tpu.memory_space<vmem>>, vector<16xf32>,
      %swap3A_136 = arith.index_cast %add3A_27 : i32 to index
      %swap3A_137 = arith.constant 144 : index
      %swap3A_138 = tpu.vector_load %arg5[%swap3A_136, %swap3A_137] {strides = array<i32>} : memref<128x208xf32, #tpu.memory_space<vmem>>, vector<16xf32>,
      tpu.vector_store %arg5[%swap3A_136, %swap3A_137], %broadcast_in_dim3A_7 {strides = array<i32>} : memref<128x208xf32, #tpu.memory_space<vmem>>, vector<16xf32>,
      %swap3A_139 = arith.index_cast %add3A_27 : i32 to index
      %swap3A_140 = arith.constant 160 : index
      %swap3A_141 = tpu.vector_load %arg5[%swap3A_139, %swap3A_140] {strides = array<i32>} : memref<128x208xf32, #tpu.memory_space<vmem>>, vector<16xf32>,
      tpu.vector_store %arg5[%swap3A_139, %swap3A_140], %broadcast_in_dim3A_7 {strides = array<i32>} : memref<128x208xf32, #tpu.memory_space<vmem>>, vector<16xf32>,
      %swap3A_142 = arith.index_cast %add3A_27 : i32 to index
      %swap3A_143 = arith.constant 176 : index
      %swap3A_144 = tpu.vector_load %arg5[%swap3A_142, %swap3A_143] {strides = array<i32>} : memref<128x208xf32, #tpu.memory_space<vmem>>, vector<16xf32>,
      tpu.vector_store %arg5[%swap3A_142, %swap3A_143], %broadcast_in_dim3A_7 {strides = array<i32>} : memref<128x208xf32, #tpu.memory_space<vmem>>, vector<16xf32>,
      %swap3A_145 = arith.index_cast %add3A_27 : i32 to index
      %swap3A_146 = arith.constant 192 : index
      %swap3A_147 = tpu.vector_load %arg5[%swap3A_145, %swap3A_146] {strides = array<i32>} : memref<128x208xf32, #tpu.memory_space<vmem>>, vector<16xf32>,
      tpu.vector_store %arg5[%swap3A_145, %swap3A_146], %broadcast_in_dim3A_7 {strides = array<i32>} : memref<128x208xf32, #tpu.memory_space<vmem>>, vector<16xf32>,
      %swap3A_148 = arith.index_cast %add3A_31 : i32 to index
      %swap3A_149 = arith.constant 0 : index
      %swap3A_150 = tpu.vector_load %arg5[%swap3A_148, %swap3A_149] {strides = array<i32>} : memref<128x208xf32, #tpu.memory_space<vmem>>, vector<16xf32>,
      tpu.vector_store %arg5[%swap3A_148, %swap3A_149], %broadcast_in_dim3A_7 {strides = array<i32>} : memref<128x208xf32, #tpu.memory_space<vmem>>, vector<16xf32>,
      %swap3A_151 = arith.index_cast %add3A_31 : i32 to index
      %swap3A_152 = arith.constant 16 : index
      %swap3A_153 = tpu.vector_load %arg5[%swap3A_151, %swap3A_152] {strides = array<i32>} : memref<128x208xf32, #tpu.memory_space<vmem>>, vector<16xf32>,
      tpu.vector_store %arg5[%swap3A_151, %swap3A_152], %broadcast_in_dim3A_7 {strides = array<i32>} : memref<128x208xf32, #tpu.memory_space<vmem>>, vector<16xf32>,
      %swap3A_154 = arith.index_cast %add3A_31 : i32 to index
      %swap3A_155 = arith.constant 32 : index
      %swap3A_156 = tpu.vector_load %arg5[%swap3A_154, %swap3A_155] {strides = array<i32>} : memref<128x208xf32, #tpu.memory_space<vmem>>, vector<16xf32>,
      tpu.vector_store %arg5[%swap3A_154, %swap3A_155], %broadcast_in_dim3A_7 {strides = array<i32>} : memref<128x208xf32, #tpu.memory_space<vmem>>, vector<16xf32>,
      %swap3A_157 = arith.index_cast %add3A_31 : i32 to index
      %swap3A_158 = arith.constant 48 : index
      %swap3A_159 = tpu.vector_load %arg5[%swap3A_157, %swap3A_158] {strides = array<i32>} : memref<128x208xf32, #tpu.memory_space<vmem>>, vector<16xf32>,
      tpu.vector_store %arg5[%swap3A_157, %swap3A_158], %broadcast_in_dim3A_7 {strides = array<i32>} : memref<128x208xf32, #tpu.memory_space<vmem>>, vector<16xf32>,
      %swap3A_160 = arith.index_cast %add3A_31 : i32 to index
      %swap3A_161 = arith.constant 64 : index
      %swap3A_162 = tpu.vector_load %arg5[%swap3A_160, %swap3A_161] {strides = array<i32>} : memref<128x208xf32, #tpu.memory_space<vmem>>, vector<16xf32>,
      tpu.vector_store %arg5[%swap3A_160, %swap3A_161], %broadcast_in_dim3A_7 {strides = array<i32>} : memref<128x208xf32, #tpu.memory_space<vmem>>, vector<16xf32>,
      %swap3A_163 = arith.index_cast %add3A_31 : i32 to index
      %swap3A_164 = arith.constant 80 : index
      %swap3A_165 = tpu.vector_load %arg5[%swap3A_163, %swap3A_164] {strides = array<i32>} : memref<128x208xf32, #tpu.memory_space<vmem>>, vector<16xf32>,
      tpu.vector_store %arg5[%swap3A_163, %swap3A_164], %broadcast_in_dim3A_7 {strides = array<i32>} : memref<128x208xf32, #tpu.memory_space<vmem>>, vector<16xf32>,
      %swap3A_166 = arith.index_cast %add3A_31 : i32 to index
      %swap3A_167 = arith.constant 96 : index
      %swap3A_168 = tpu.vector_load %arg5[%swap3A_166, %swap3A_167] {strides = array<i32>} : memref<128x208xf32, #tpu.memory_space<vmem>>, vector<16xf32>,
      tpu.vector_store %arg5[%swap3A_166, %swap3A_167], %broadcast_in_dim3A_7 {strides = array<i32>} : memref<128x208xf32, #tpu.memory_space<vmem>>, vector<16xf32>,
      %swap3A_169 = arith.index_cast %add3A_31 : i32 to index
      %swap3A_170 = arith.constant 112 : index
      %swap3A_171 = tpu.vector_load %arg5[%swap3A_169, %swap3A_170] {strides = array<i32>} : memref<128x208xf32, #tpu.memory_space<vmem>>, vector<16xf32>,
      tpu.vector_store %arg5[%swap3A_169, %swap3A_170], %broadcast_in_dim3A_7 {strides = array<i32>} : memref<128x208xf32, #tpu.memory_space<vmem>>, vector<16xf32>,
      %swap3A_172 = arith.index_cast %add3A_31 : i32 to index
      %swap3A_173 = arith.constant 128 : index
      %swap3A_174 = tpu.vector_load %arg5[%swap3A_172, %swap3A_173] {strides = array<i32>} : memref<128x208xf32, #tpu.memory_space<vmem>>, vector<16xf32>,
      tpu.vector_store %arg5[%swap3A_172, %swap3A_173], %broadcast_in_dim3A_7 {strides = array<i32>} : memref<128x208xf32, #tpu.memory_space<vmem>>, vector<16xf32>,
      %swap3A_175 = arith.index_cast %add3A_31 : i32 to index
      %swap3A_176 = arith.constant 144 : index
      %swap3A_177 = tpu.vector_load %arg5[%swap3A_175, %swap3A_176] {strides = array<i32>} : memref<128x208xf32, #tpu.memory_space<vmem>>, vector<16xf32>,
      tpu.vector_store %arg5[%swap3A_175, %swap3A_176], %broadcast_in_dim3A_7 {strides = array<i32>} : memref<128x208xf32, #tpu.memory_space<vmem>>, vector<16xf32>,
      %swap3A_178 = arith.index_cast %add3A_31 : i32 to index
      %swap3A_179 = arith.constant 160 : index
      %swap3A_180 = tpu.vector_load %arg5[%swap3A_178, %swap3A_179] {strides = array<i32>} : memref<128x208xf32, #tpu.memory_space<vmem>>, vector<16xf32>,
      tpu.vector_store %arg5[%swap3A_178, %swap3A_179], %broadcast_in_dim3A_7 {strides = array<i32>} : memref<128x208xf32, #tpu.memory_space<vmem>>, vector<16xf32>,
      %swap3A_181 = arith.index_cast %add3A_31 : i32 to index
      %swap3A_182 = arith.constant 176 : index
      %swap3A_183 = tpu.vector_load %arg5[%swap3A_181, %swap3A_182] {strides = array<i32>} : memref<128x208xf32, #tpu.memory_space<vmem>>, vector<16xf32>,
      tpu.vector_store %arg5[%swap3A_181, %swap3A_182], %broadcast_in_dim3A_7 {strides = array<i32>} : memref<128x208xf32, #tpu.memory_space<vmem>>, vector<16xf32>,
      %swap3A_184 = arith.index_cast %add3A_31 : i32 to index
      %swap3A_185 = arith.constant 192 : index
      %swap3A_186 = tpu.vector_load %arg5[%swap3A_184, %swap3A_185] {strides = array<i32>} : memref<128x208xf32, #tpu.memory_space<vmem>>, vector<16xf32>,
      tpu.vector_store %arg5[%swap3A_184, %swap3A_185], %broadcast_in_dim3A_7 {strides = array<i32>} : memref<128x208xf32, #tpu.memory_space<vmem>>, vector<16xf32>,
      %broadcast_in_dim3A_187 = vector.broadcast %add3A_19 : i32 to vector<16xi32>
      %broadcast_in_dim3A_188 = vector.broadcast %add3A_23 : i32 to vector<16xi32>
      %broadcast_in_dim3A_189 = vector.broadcast %add3A_27 : i32 to vector<16xi32>
      %broadcast_in_dim3A_190 = vector.broadcast %add3A_31 : i32 to vector<16xi32>
      %mul3A_191 = arith.constant 64 : i32
      %mul3A_192 = arith.muli %add3A_19, %mul3A_191 : i32
      %add3A_193 = arith.constant 0 : i32
      %add3A_194 = arith.addi %mul3A_192, %add3A_193 : i32
      %get3A = arith.index_cast %add3A_194 : i32 to index
      %get3A_195 = tpu.vector_load %arg4[%get3A] {strides = array<i32>} : memref<8192xi32, #tpu.memory_space<vmem>>, vector<16xi32>,
      %mul3A_196 = arith.constant 64 : i32
      %mul3A_197 = arith.muli %add3A_23, %mul3A_196 : i32
      %add3A_198 = arith.constant 0 : i32
      %add3A_199 = arith.addi %mul3A_197, %add3A_198 : i32
      %get3A_200 = arith.index_cast %add3A_199 : i32 to index
      %get3A_201 = tpu.vector_load %arg4[%get3A_200] {strides = array<i32>} : memref<8192xi32, #tpu.memory_space<vmem>>, vector<16xi32>,
      %mul3A_202 = arith.constant 64 : i32
      %mul3A_203 = arith.muli %add3A_27, %mul3A_202 : i32
      %add3A_204 = arith.constant 0 : i32
      %add3A_205 = arith.addi %mul3A_203, %add3A_204 : i32
      %get3A_206 = arith.index_cast %add3A_205 : i32 to index
      %get3A_207 = tpu.vector_load %arg4[%get3A_206] {strides = array<i32>} : memref<8192xi32, #tpu.memory_space<vmem>>, vector<16xi32>,
      %mul3A_208 = arith.constant 64 : i32
      %mul3A_209 = arith.muli %add3A_31, %mul3A_208 : i32
      %add3A_210 = arith.constant 0 : i32
      %add3A_211 = arith.addi %mul3A_209, %add3A_210 : i32
      %get3A_212 = arith.index_cast %add3A_211 : i32 to index
      %get3A_213 = tpu.vector_load %arg4[%get3A_212] {strides = array<i32>} : memref<8192xi32, #tpu.memory_space<vmem>>, vector<16xi32>,
      %shift_right_logical3A = arith.constant 0 : i32
      %shift_right_logical3A_214 = vector.broadcast %shift_right_logical3A : i32 to vector<16xi32>
      %shift_right_logical3A_215 = arith.shrui %get3A_195, %shift_right_logical3A_214 : vector<16xi32>
      %and3A = arith.constant 255 : i32
      %and3A_216 = vector.broadcast %and3A : i32 to vector<16xi32>
      %and3A_217 = arith.andi %shift_right_logical3A_215, %and3A_216 : vector<16xi32>
      %lt3A = arith.constant 201 : i32
      %lt3A_218 = vector.broadcast %lt3A : i32 to vector<16xi32>
      %lt3A_219 = arith.cmpi slt, %and3A_217, %lt3A_218 : vector<16xi32>
      tpu.vector_store_idx %arg5[%broadcast_in_dim3A_187, %and3A_217], %broadcast_in_dim3A_5 masked %lt3A_219 {add = true} : memref<128x208xf32, #tpu.memory_space<vmem>>[vector<16xi32>, vector<16xi32>], vector<16xf32>, vector<16xi1>
      %shift_right_logical3A_220 = arith.constant 0 : i32
      %shift_right_logical3A_221 = vector.broadcast %shift_right_logical3A_220 : i32 to vector<16xi32>
      %shift_right_logical3A_222 = arith.shrui %get3A_201, %shift_right_logical3A_221 : vector<16xi32>
      %and3A_223 = arith.constant 255 : i32
      %and3A_224 = vector.broadcast %and3A_223 : i32 to vector<16xi32>
      %and3A_225 = arith.andi %shift_right_logical3A_222, %and3A_224 : vector<16xi32>
      %lt3A_226 = arith.constant 201 : i32
      %lt3A_227 = vector.broadcast %lt3A_226 : i32 to vector<16xi32>
      %lt3A_228 = arith.cmpi slt, %and3A_225, %lt3A_227 : vector<16xi32>
      tpu.vector_store_idx %arg5[%broadcast_in_dim3A_188, %and3A_225], %broadcast_in_dim3A_5 masked %lt3A_228 {add = true} : memref<128x208xf32, #tpu.memory_space<vmem>>[vector<16xi32>, vector<16xi32>], vector<16xf32>, vector<16xi1>
      %shift_right_logical3A_229 = arith.constant 0 : i32
      %shift_right_logical3A_230 = vector.broadcast %shift_right_logical3A_229 : i32 to vector<16xi32>
      %shift_right_logical3A_231 = arith.shrui %get3A_207, %shift_right_logical3A_230 : vector<16xi32>
      %and3A_232 = arith.constant 255 : i32
      %and3A_233 = vector.broadcast %and3A_232 : i32 to vector<16xi32>
      %and3A_234 = arith.andi %shift_right_logical3A_231, %and3A_233 : vector<16xi32>
      %lt3A_235 = arith.constant 201 : i32
      %lt3A_236 = vector.broadcast %lt3A_235 : i32 to vector<16xi32>
      %lt3A_237 = arith.cmpi slt, %and3A_234, %lt3A_236 : vector<16xi32>
      tpu.vector_store_idx %arg5[%broadcast_in_dim3A_189, %and3A_234], %broadcast_in_dim3A_5 masked %lt3A_237 {add = true} : memref<128x208xf32, #tpu.memory_space<vmem>>[vector<16xi32>, vector<16xi32>], vector<16xf32>, vector<16xi1>
      %shift_right_logical3A_238 = arith.constant 0 : i32
      %shift_right_logical3A_239 = vector.broadcast %shift_right_logical3A_238 : i32 to vector<16xi32>
      %shift_right_logical3A_240 = arith.shrui %get3A_213, %shift_right_logical3A_239 : vector<16xi32>
      %and3A_241 = arith.constant 255 : i32
      %and3A_242 = vector.broadcast %and3A_241 : i32 to vector<16xi32>
      %and3A_243 = arith.andi %shift_right_logical3A_240, %and3A_242 : vector<16xi32>
      %lt3A_244 = arith.constant 201 : i32
      %lt3A_245 = vector.broadcast %lt3A_244 : i32 to vector<16xi32>
      %lt3A_246 = arith.cmpi slt, %and3A_243, %lt3A_245 : vector<16xi32>
      tpu.vector_store_idx %arg5[%broadcast_in_dim3A_190, %and3A_243], %broadcast_in_dim3A_5 masked %lt3A_246 {add = true} : memref<128x208xf32, #tpu.memory_space<vmem>>[vector<16xi32>, vector<16xi32>], vector<16xf32>, vector<16xi1>
      %shift_right_logical3A_247 = arith.constant 8 : i32
      %shift_right_logical3A_248 = vector.broadcast %shift_right_logical3A_247 : i32 to vector<16xi32>
      %shift_right_logical3A_249 = arith.shrui %get3A_195, %shift_right_logical3A_248 : vector<16xi32>
      %and3A_250 = arith.constant 255 : i32
      %and3A_251 = vector.broadcast %and3A_250 : i32 to vector<16xi32>
      %and3A_252 = arith.andi %shift_right_logical3A_249, %and3A_251 : vector<16xi32>
      %lt3A_253 = arith.constant 201 : i32
      %lt3A_254 = vector.broadcast %lt3A_253 : i32 to vector<16xi32>
      %lt3A_255 = arith.cmpi slt, %and3A_252, %lt3A_254 : vector<16xi32>
      tpu.vector_store_idx %arg5[%broadcast_in_dim3A_187, %and3A_252], %broadcast_in_dim3A_5 masked %lt3A_255 {add = true} : memref<128x208xf32, #tpu.memory_space<vmem>>[vector<16xi32>, vector<16xi32>], vector<16xf32>, vector<16xi1>
      %shift_right_logical3A_256 = arith.constant 8 : i32
      %shift_right_logical3A_257 = vector.broadcast %shift_right_logical3A_256 : i32 to vector<16xi32>
      %shift_right_logical3A_258 = arith.shrui %get3A_201, %shift_right_logical3A_257 : vector<16xi32>
      %and3A_259 = arith.constant 255 : i32
      %and3A_260 = vector.broadcast %and3A_259 : i32 to vector<16xi32>
      %and3A_261 = arith.andi %shift_right_logical3A_258, %and3A_260 : vector<16xi32>
      %lt3A_262 = arith.constant 201 : i32
      %lt3A_263 = vector.broadcast %lt3A_262 : i32 to vector<16xi32>
      %lt3A_264 = arith.cmpi slt, %and3A_261, %lt3A_263 : vector<16xi32>
      tpu.vector_store_idx %arg5[%broadcast_in_dim3A_188, %and3A_261], %broadcast_in_dim3A_5 masked %lt3A_264 {add = true} : memref<128x208xf32, #tpu.memory_space<vmem>>[vector<16xi32>, vector<16xi32>], vector<16xf32>, vector<16xi1>
      %shift_right_logical3A_265 = arith.constant 8 : i32
      %shift_right_logical3A_266 = vector.broadcast %shift_right_logical3A_265 : i32 to vector<16xi32>
      %shift_right_logical3A_267 = arith.shrui %get3A_207, %shift_right_logical3A_266 : vector<16xi32>
      %and3A_268 = arith.constant 255 : i32
      %and3A_269 = vector.broadcast %and3A_268 : i32 to vector<16xi32>
      %and3A_270 = arith.andi %shift_right_logical3A_267, %and3A_269 : vector<16xi32>
      %lt3A_271 = arith.constant 201 : i32
      %lt3A_272 = vector.broadcast %lt3A_271 : i32 to vector<16xi32>
      %lt3A_273 = arith.cmpi slt, %and3A_270, %lt3A_272 : vector<16xi32>
      tpu.vector_store_idx %arg5[%broadcast_in_dim3A_189, %and3A_270], %broadcast_in_dim3A_5 masked %lt3A_273 {add = true} : memref<128x208xf32, #tpu.memory_space<vmem>>[vector<16xi32>, vector<16xi32>], vector<16xf32>, vector<16xi1>
      %shift_right_logical3A_274 = arith.constant 8 : i32
      %shift_right_logical3A_275 = vector.broadcast %shift_right_logical3A_274 : i32 to vector<16xi32>
      %shift_right_logical3A_276 = arith.shrui %get3A_213, %shift_right_logical3A_275 : vector<16xi32>
      %and3A_277 = arith.constant 255 : i32
      %and3A_278 = vector.broadcast %and3A_277 : i32 to vector<16xi32>
      %and3A_279 = arith.andi %shift_right_logical3A_276, %and3A_278 : vector<16xi32>
      %lt3A_280 = arith.constant 201 : i32
      %lt3A_281 = vector.broadcast %lt3A_280 : i32 to vector<16xi32>
      %lt3A_282 = arith.cmpi slt, %and3A_279, %lt3A_281 : vector<16xi32>
      tpu.vector_store_idx %arg5[%broadcast_in_dim3A_190, %and3A_279], %broadcast_in_dim3A_5 masked %lt3A_282 {add = true} : memref<128x208xf32, #tpu.memory_space<vmem>>[vector<16xi32>, vector<16xi32>], vector<16xf32>, vector<16xi1>
      %shift_right_logical3A_283 = arith.constant 16 : i32
      %shift_right_logical3A_284 = vector.broadcast %shift_right_logical3A_283 : i32 to vector<16xi32>
      %shift_right_logical3A_285 = arith.shrui %get3A_195, %shift_right_logical3A_284 : vector<16xi32>
      %and3A_286 = arith.constant 255 : i32
      %and3A_287 = vector.broadcast %and3A_286 : i32 to vector<16xi32>
      %and3A_288 = arith.andi %shift_right_logical3A_285, %and3A_287 : vector<16xi32>
      %lt3A_289 = arith.constant 201 : i32
      %lt3A_290 = vector.broadcast %lt3A_289 : i32 to vector<16xi32>
      %lt3A_291 = arith.cmpi slt, %and3A_288, %lt3A_290 : vector<16xi32>
      tpu.vector_store_idx %arg5[%broadcast_in_dim3A_187, %and3A_288], %broadcast_in_dim3A_5 masked %lt3A_291 {add = true} : memref<128x208xf32, #tpu.memory_space<vmem>>[vector<16xi32>, vector<16xi32>], vector<16xf32>, vector<16xi1>
      %shift_right_logical3A_292 = arith.constant 16 : i32
      %shift_right_logical3A_293 = vector.broadcast %shift_right_logical3A_292 : i32 to vector<16xi32>
      %shift_right_logical3A_294 = arith.shrui %get3A_201, %shift_right_logical3A_293 : vector<16xi32>
      %and3A_295 = arith.constant 255 : i32
      %and3A_296 = vector.broadcast %and3A_295 : i32 to vector<16xi32>
      %and3A_297 = arith.andi %shift_right_logical3A_294, %and3A_296 : vector<16xi32>
      %lt3A_298 = arith.constant 201 : i32
      %lt3A_299 = vector.broadcast %lt3A_298 : i32 to vector<16xi32>
      %lt3A_300 = arith.cmpi slt, %and3A_297, %lt3A_299 : vector<16xi32>
      tpu.vector_store_idx %arg5[%broadcast_in_dim3A_188, %and3A_297], %broadcast_in_dim3A_5 masked %lt3A_300 {add = true} : memref<128x208xf32, #tpu.memory_space<vmem>>[vector<16xi32>, vector<16xi32>], vector<16xf32>, vector<16xi1>
      %shift_right_logical3A_301 = arith.constant 16 : i32
      %shift_right_logical3A_302 = vector.broadcast %shift_right_logical3A_301 : i32 to vector<16xi32>
      %shift_right_logical3A_303 = arith.shrui %get3A_207, %shift_right_logical3A_302 : vector<16xi32>
      %and3A_304 = arith.constant 255 : i32
      %and3A_305 = vector.broadcast %and3A_304 : i32 to vector<16xi32>
      %and3A_306 = arith.andi %shift_right_logical3A_303, %and3A_305 : vector<16xi32>
      %lt3A_307 = arith.constant 201 : i32
      %lt3A_308 = vector.broadcast %lt3A_307 : i32 to vector<16xi32>
      %lt3A_309 = arith.cmpi slt, %and3A_306, %lt3A_308 : vector<16xi32>
      tpu.vector_store_idx %arg5[%broadcast_in_dim3A_189, %and3A_306], %broadcast_in_dim3A_5 masked %lt3A_309 {add = true} : memref<128x208xf32, #tpu.memory_space<vmem>>[vector<16xi32>, vector<16xi32>], vector<16xf32>, vector<16xi1>
      %shift_right_logical3A_310 = arith.constant 16 : i32
      %shift_right_logical3A_311 = vector.broadcast %shift_right_logical3A_310 : i32 to vector<16xi32>
      %shift_right_logical3A_312 = arith.shrui %get3A_213, %shift_right_logical3A_311 : vector<16xi32>
      %and3A_313 = arith.constant 255 : i32
      %and3A_314 = vector.broadcast %and3A_313 : i32 to vector<16xi32>
      %and3A_315 = arith.andi %shift_right_logical3A_312, %and3A_314 : vector<16xi32>
      %lt3A_316 = arith.constant 201 : i32
      %lt3A_317 = vector.broadcast %lt3A_316 : i32 to vector<16xi32>
      %lt3A_318 = arith.cmpi slt, %and3A_315, %lt3A_317 : vector<16xi32>
      tpu.vector_store_idx %arg5[%broadcast_in_dim3A_190, %and3A_315], %broadcast_in_dim3A_5 masked %lt3A_318 {add = true} : memref<128x208xf32, #tpu.memory_space<vmem>>[vector<16xi32>, vector<16xi32>], vector<16xf32>, vector<16xi1>
      %shift_right_logical3A_319 = arith.constant 24 : i32
      %shift_right_logical3A_320 = vector.broadcast %shift_right_logical3A_319 : i32 to vector<16xi32>
      %shift_right_logical3A_321 = arith.shrui %get3A_195, %shift_right_logical3A_320 : vector<16xi32>
      %and3A_322 = arith.constant 255 : i32
      %and3A_323 = vector.broadcast %and3A_322 : i32 to vector<16xi32>
      %and3A_324 = arith.andi %shift_right_logical3A_321, %and3A_323 : vector<16xi32>
      %lt3A_325 = arith.constant 201 : i32
      %lt3A_326 = vector.broadcast %lt3A_325 : i32 to vector<16xi32>
      %lt3A_327 = arith.cmpi slt, %and3A_324, %lt3A_326 : vector<16xi32>
      tpu.vector_store_idx %arg5[%broadcast_in_dim3A_187, %and3A_324], %broadcast_in_dim3A_5 masked %lt3A_327 {add = true} : memref<128x208xf32, #tpu.memory_space<vmem>>[vector<16xi32>, vector<16xi32>], vector<16xf32>, vector<16xi1>
      %shift_right_logical3A_328 = arith.constant 24 : i32
      %shift_right_logical3A_329 = vector.broadcast %shift_right_logical3A_328 : i32 to vector<16xi32>
      %shift_right_logical3A_330 = arith.shrui %get3A_201, %shift_right_logical3A_329 : vector<16xi32>
      %and3A_331 = arith.constant 255 : i32
      %and3A_332 = vector.broadcast %and3A_331 : i32 to vector<16xi32>
      %and3A_333 = arith.andi %shift_right_logical3A_330, %and3A_332 : vector<16xi32>
      %lt3A_334 = arith.constant 201 : i32
      %lt3A_335 = vector.broadcast %lt3A_334 : i32 to vector<16xi32>
      %lt3A_336 = arith.cmpi slt, %and3A_333, %lt3A_335 : vector<16xi32>
      tpu.vector_store_idx %arg5[%broadcast_in_dim3A_188, %and3A_333], %broadcast_in_dim3A_5 masked %lt3A_336 {add = true} : memref<128x208xf32, #tpu.memory_space<vmem>>[vector<16xi32>, vector<16xi32>], vector<16xf32>, vector<16xi1>
      %shift_right_logical3A_337 = arith.constant 24 : i32
      %shift_right_logical3A_338 = vector.broadcast %shift_right_logical3A_337 : i32 to vector<16xi32>
      %shift_right_logical3A_339 = arith.shrui %get3A_207, %shift_right_logical3A_338 : vector<16xi32>
      %and3A_340 = arith.constant 255 : i32
      %and3A_341 = vector.broadcast %and3A_340 : i32 to vector<16xi32>
      %and3A_342 = arith.andi %shift_right_logical3A_339, %and3A_341 : vector<16xi32>
      %lt3A_343 = arith.constant 201 : i32
      %lt3A_344 = vector.broadcast %lt3A_343 : i32 to vector<16xi32>
      %lt3A_345 = arith.cmpi slt, %and3A_342, %lt3A_344 : vector<16xi32>
      tpu.vector_store_idx %arg5[%broadcast_in_dim3A_189, %and3A_342], %broadcast_in_dim3A_5 masked %lt3A_345 {add = true} : memref<128x208xf32, #tpu.memory_space<vmem>>[vector<16xi32>, vector<16xi32>], vector<16xf32>, vector<16xi1>
      %shift_right_logical3A_346 = arith.constant 24 : i32
      %shift_right_logical3A_347 = vector.broadcast %shift_right_logical3A_346 : i32 to vector<16xi32>
      %shift_right_logical3A_348 = arith.shrui %get3A_213, %shift_right_logical3A_347 : vector<16xi32>
      %and3A_349 = arith.constant 255 : i32
      %and3A_350 = vector.broadcast %and3A_349 : i32 to vector<16xi32>
      %and3A_351 = arith.andi %shift_right_logical3A_348, %and3A_350 : vector<16xi32>
      %lt3A_352 = arith.constant 201 : i32
      %lt3A_353 = vector.broadcast %lt3A_352 : i32 to vector<16xi32>
      %lt3A_354 = arith.cmpi slt, %and3A_351, %lt3A_353 : vector<16xi32>
      tpu.vector_store_idx %arg5[%broadcast_in_dim3A_190, %and3A_351], %broadcast_in_dim3A_5 masked %lt3A_354 {add = true} : memref<128x208xf32, #tpu.memory_space<vmem>>[vector<16xi32>, vector<16xi32>], vector<16xf32>, vector<16xi1>
      %mul3A_355 = arith.constant 64 : i32
      %mul3A_356 = arith.muli %add3A_19, %mul3A_355 : i32
      %add3A_357 = arith.constant 16 : i32
      %add3A_358 = arith.addi %mul3A_356, %add3A_357 : i32
      %get3A_359 = arith.index_cast %add3A_358 : i32 to index
      %get3A_360 = tpu.vector_load %arg4[%get3A_359] {strides = array<i32>} : memref<8192xi32, #tpu.memory_space<vmem>>, vector<16xi32>,
      %mul3A_361 = arith.constant 64 : i32
      %mul3A_362 = arith.muli %add3A_23, %mul3A_361 : i32
      %add3A_363 = arith.constant 16 : i32
      %add3A_364 = arith.addi %mul3A_362, %add3A_363 : i32
      %get3A_365 = arith.index_cast %add3A_364 : i32 to index
      %get3A_366 = tpu.vector_load %arg4[%get3A_365] {strides = array<i32>} : memref<8192xi32, #tpu.memory_space<vmem>>, vector<16xi32>,
      %mul3A_367 = arith.constant 64 : i32
      %mul3A_368 = arith.muli %add3A_27, %mul3A_367 : i32
      %add3A_369 = arith.constant 16 : i32
      %add3A_370 = arith.addi %mul3A_368, %add3A_369 : i32
      %get3A_371 = arith.index_cast %add3A_370 : i32 to index
      %get3A_372 = tpu.vector_load %arg4[%get3A_371] {strides = array<i32>} : memref<8192xi32, #tpu.memory_space<vmem>>, vector<16xi32>,
      %mul3A_373 = arith.constant 64 : i32
      %mul3A_374 = arith.muli %add3A_31, %mul3A_373 : i32
      %add3A_375 = arith.constant 16 : i32
      %add3A_376 = arith.addi %mul3A_374, %add3A_375 : i32
      %get3A_377 = arith.index_cast %add3A_376 : i32 to index
      %get3A_378 = tpu.vector_load %arg4[%get3A_377] {strides = array<i32>} : memref<8192xi32, #tpu.memory_space<vmem>>, vector<16xi32>,
      %shift_right_logical3A_379 = arith.constant 0 : i32
      %shift_right_logical3A_380 = vector.broadcast %shift_right_logical3A_379 : i32 to vector<16xi32>
      %shift_right_logical3A_381 = arith.shrui %get3A_360, %shift_right_logical3A_380 : vector<16xi32>
      %and3A_382 = arith.constant 255 : i32
      %and3A_383 = vector.broadcast %and3A_382 : i32 to vector<16xi32>
      %and3A_384 = arith.andi %shift_right_logical3A_381, %and3A_383 : vector<16xi32>
      %lt3A_385 = arith.constant 201 : i32
      %lt3A_386 = vector.broadcast %lt3A_385 : i32 to vector<16xi32>
      %lt3A_387 = arith.cmpi slt, %and3A_384, %lt3A_386 : vector<16xi32>
      tpu.vector_store_idx %arg5[%broadcast_in_dim3A_187, %and3A_384], %broadcast_in_dim3A_5 masked %lt3A_387 {add = true} : memref<128x208xf32, #tpu.memory_space<vmem>>[vector<16xi32>, vector<16xi32>], vector<16xf32>, vector<16xi1>
      %shift_right_logical3A_388 = arith.constant 0 : i32
      %shift_right_logical3A_389 = vector.broadcast %shift_right_logical3A_388 : i32 to vector<16xi32>
      %shift_right_logical3A_390 = arith.shrui %get3A_366, %shift_right_logical3A_389 : vector<16xi32>
      %and3A_391 = arith.constant 255 : i32
      %and3A_392 = vector.broadcast %and3A_391 : i32 to vector<16xi32>
      %and3A_393 = arith.andi %shift_right_logical3A_390, %and3A_392 : vector<16xi32>
      %lt3A_394 = arith.constant 201 : i32
      %lt3A_395 = vector.broadcast %lt3A_394 : i32 to vector<16xi32>
      %lt3A_396 = arith.cmpi slt, %and3A_393, %lt3A_395 : vector<16xi32>
      tpu.vector_store_idx %arg5[%broadcast_in_dim3A_188, %and3A_393], %broadcast_in_dim3A_5 masked %lt3A_396 {add = true} : memref<128x208xf32, #tpu.memory_space<vmem>>[vector<16xi32>, vector<16xi32>], vector<16xf32>, vector<16xi1>
      %shift_right_logical3A_397 = arith.constant 0 : i32
      %shift_right_logical3A_398 = vector.broadcast %shift_right_logical3A_397 : i32 to vector<16xi32>
      %shift_right_logical3A_399 = arith.shrui %get3A_372, %shift_right_logical3A_398 : vector<16xi32>
      %and3A_400 = arith.constant 255 : i32
      %and3A_401 = vector.broadcast %and3A_400 : i32 to vector<16xi32>
      %and3A_402 = arith.andi %shift_right_logical3A_399, %and3A_401 : vector<16xi32>
      %lt3A_403 = arith.constant 201 : i32
      %lt3A_404 = vector.broadcast %lt3A_403 : i32 to vector<16xi32>
      %lt3A_405 = arith.cmpi slt, %and3A_402, %lt3A_404 : vector<16xi32>
      tpu.vector_store_idx %arg5[%broadcast_in_dim3A_189, %and3A_402], %broadcast_in_dim3A_5 masked %lt3A_405 {add = true} : memref<128x208xf32, #tpu.memory_space<vmem>>[vector<16xi32>, vector<16xi32>], vector<16xf32>, vector<16xi1>
      %shift_right_logical3A_406 = arith.constant 0 : i32
      %shift_right_logical3A_407 = vector.broadcast %shift_right_logical3A_406 : i32 to vector<16xi32>
      %shift_right_logical3A_408 = arith.shrui %get3A_378, %shift_right_logical3A_407 : vector<16xi32>
      %and3A_409 = arith.constant 255 : i32
      %and3A_410 = vector.broadcast %and3A_409 : i32 to vector<16xi32>
      %and3A_411 = arith.andi %shift_right_logical3A_408, %and3A_410 : vector<16xi32>
      %lt3A_412 = arith.constant 201 : i32
      %lt3A_413 = vector.broadcast %lt3A_412 : i32 to vector<16xi32>
      %lt3A_414 = arith.cmpi slt, %and3A_411, %lt3A_413 : vector<16xi32>
      tpu.vector_store_idx %arg5[%broadcast_in_dim3A_190, %and3A_411], %broadcast_in_dim3A_5 masked %lt3A_414 {add = true} : memref<128x208xf32, #tpu.memory_space<vmem>>[vector<16xi32>, vector<16xi32>], vector<16xf32>, vector<16xi1>
      %shift_right_logical3A_415 = arith.constant 8 : i32
      %shift_right_logical3A_416 = vector.broadcast %shift_right_logical3A_415 : i32 to vector<16xi32>
      %shift_right_logical3A_417 = arith.shrui %get3A_360, %shift_right_logical3A_416 : vector<16xi32>
      %and3A_418 = arith.constant 255 : i32
      %and3A_419 = vector.broadcast %and3A_418 : i32 to vector<16xi32>
      %and3A_420 = arith.andi %shift_right_logical3A_417, %and3A_419 : vector<16xi32>
      %lt3A_421 = arith.constant 201 : i32
      %lt3A_422 = vector.broadcast %lt3A_421 : i32 to vector<16xi32>
      %lt3A_423 = arith.cmpi slt, %and3A_420, %lt3A_422 : vector<16xi32>
      tpu.vector_store_idx %arg5[%broadcast_in_dim3A_187, %and3A_420], %broadcast_in_dim3A_5 masked %lt3A_423 {add = true} : memref<128x208xf32, #tpu.memory_space<vmem>>[vector<16xi32>, vector<16xi32>], vector<16xf32>, vector<16xi1>
      %shift_right_logical3A_424 = arith.constant 8 : i32
      %shift_right_logical3A_425 = vector.broadcast %shift_right_logical3A_424 : i32 to vector<16xi32>
      %shift_right_logical3A_426 = arith.shrui %get3A_366, %shift_right_logical3A_425 : vector<16xi32>
      %and3A_427 = arith.constant 255 : i32
      %and3A_428 = vector.broadcast %and3A_427 : i32 to vector<16xi32>
      %and3A_429 = arith.andi %shift_right_logical3A_426, %and3A_428 : vector<16xi32>
      %lt3A_430 = arith.constant 201 : i32
      %lt3A_431 = vector.broadcast %lt3A_430 : i32 to vector<16xi32>
      %lt3A_432 = arith.cmpi slt, %and3A_429, %lt3A_431 : vector<16xi32>
      tpu.vector_store_idx %arg5[%broadcast_in_dim3A_188, %and3A_429], %broadcast_in_dim3A_5 masked %lt3A_432 {add = true} : memref<128x208xf32, #tpu.memory_space<vmem>>[vector<16xi32>, vector<16xi32>], vector<16xf32>, vector<16xi1>
      %shift_right_logical3A_433 = arith.constant 8 : i32
      %shift_right_logical3A_434 = vector.broadcast %shift_right_logical3A_433 : i32 to vector<16xi32>
      %shift_right_logical3A_435 = arith.shrui %get3A_372, %shift_right_logical3A_434 : vector<16xi32>
      %and3A_436 = arith.constant 255 : i32
      %and3A_437 = vector.broadcast %and3A_436 : i32 to vector<16xi32>
      %and3A_438 = arith.andi %shift_right_logical3A_435, %and3A_437 : vector<16xi32>
      %lt3A_439 = arith.constant 201 : i32
      %lt3A_440 = vector.broadcast %lt3A_439 : i32 to vector<16xi32>
      %lt3A_441 = arith.cmpi slt, %and3A_438, %lt3A_440 : vector<16xi32>
      tpu.vector_store_idx %arg5[%broadcast_in_dim3A_189, %and3A_438], %broadcast_in_dim3A_5 masked %lt3A_441 {add = true} : memref<128x208xf32, #tpu.memory_space<vmem>>[vector<16xi32>, vector<16xi32>], vector<16xf32>, vector<16xi1>
      %shift_right_logical3A_442 = arith.constant 8 : i32
      %shift_right_logical3A_443 = vector.broadcast %shift_right_logical3A_442 : i32 to vector<16xi32>
      %shift_right_logical3A_444 = arith.shrui %get3A_378, %shift_right_logical3A_443 : vector<16xi32>
      %and3A_445 = arith.constant 255 : i32
      %and3A_446 = vector.broadcast %and3A_445 : i32 to vector<16xi32>
      %and3A_447 = arith.andi %shift_right_logical3A_444, %and3A_446 : vector<16xi32>
      %lt3A_448 = arith.constant 201 : i32
      %lt3A_449 = vector.broadcast %lt3A_448 : i32 to vector<16xi32>
      %lt3A_450 = arith.cmpi slt, %and3A_447, %lt3A_449 : vector<16xi32>
      tpu.vector_store_idx %arg5[%broadcast_in_dim3A_190, %and3A_447], %broadcast_in_dim3A_5 masked %lt3A_450 {add = true} : memref<128x208xf32, #tpu.memory_space<vmem>>[vector<16xi32>, vector<16xi32>], vector<16xf32>, vector<16xi1>
      %shift_right_logical3A_451 = arith.constant 16 : i32
      %shift_right_logical3A_452 = vector.broadcast %shift_right_logical3A_451 : i32 to vector<16xi32>
      %shift_right_logical3A_453 = arith.shrui %get3A_360, %shift_right_logical3A_452 : vector<16xi32>
      %and3A_454 = arith.constant 255 : i32
      %and3A_455 = vector.broadcast %and3A_454 : i32 to vector<16xi32>
      %and3A_456 = arith.andi %shift_right_logical3A_453, %and3A_455 : vector<16xi32>
      %lt3A_457 = arith.constant 201 : i32
      %lt3A_458 = vector.broadcast %lt3A_457 : i32 to vector<16xi32>
      %lt3A_459 = arith.cmpi slt, %and3A_456, %lt3A_458 : vector<16xi32>
      tpu.vector_store_idx %arg5[%broadcast_in_dim3A_187, %and3A_456], %broadcast_in_dim3A_5 masked %lt3A_459 {add = true} : memref<128x208xf32, #tpu.memory_space<vmem>>[vector<16xi32>, vector<16xi32>], vector<16xf32>, vector<16xi1>
      %shift_right_logical3A_460 = arith.constant 16 : i32
      %shift_right_logical3A_461 = vector.broadcast %shift_right_logical3A_460 : i32 to vector<16xi32>
      %shift_right_logical3A_462 = arith.shrui %get3A_366, %shift_right_logical3A_461 : vector<16xi32>
      %and3A_463 = arith.constant 255 : i32
      %and3A_464 = vector.broadcast %and3A_463 : i32 to vector<16xi32>
      %and3A_465 = arith.andi %shift_right_logical3A_462, %and3A_464 : vector<16xi32>
      %lt3A_466 = arith.constant 201 : i32
      %lt3A_467 = vector.broadcast %lt3A_466 : i32 to vector<16xi32>
      %lt3A_468 = arith.cmpi slt, %and3A_465, %lt3A_467 : vector<16xi32>
      tpu.vector_store_idx %arg5[%broadcast_in_dim3A_188, %and3A_465], %broadcast_in_dim3A_5 masked %lt3A_468 {add = true} : memref<128x208xf32, #tpu.memory_space<vmem>>[vector<16xi32>, vector<16xi32>], vector<16xf32>, vector<16xi1>
      %shift_right_logical3A_469 = arith.constant 16 : i32
      %shift_right_logical3A_470 = vector.broadcast %shift_right_logical3A_469 : i32 to vector<16xi32>
      %shift_right_logical3A_471 = arith.shrui %get3A_372, %shift_right_logical3A_470 : vector<16xi32>
      %and3A_472 = arith.constant 255 : i32
      %and3A_473 = vector.broadcast %and3A_472 : i32 to vector<16xi32>
      %and3A_474 = arith.andi %shift_right_logical3A_471, %and3A_473 : vector<16xi32>
      %lt3A_475 = arith.constant 201 : i32
      %lt3A_476 = vector.broadcast %lt3A_475 : i32 to vector<16xi32>
      %lt3A_477 = arith.cmpi slt, %and3A_474, %lt3A_476 : vector<16xi32>
      tpu.vector_store_idx %arg5[%broadcast_in_dim3A_189, %and3A_474], %broadcast_in_dim3A_5 masked %lt3A_477 {add = true} : memref<128x208xf32, #tpu.memory_space<vmem>>[vector<16xi32>, vector<16xi32>], vector<16xf32>, vector<16xi1>
      %shift_right_logical3A_478 = arith.constant 16 : i32
      %shift_right_logical3A_479 = vector.broadcast %shift_right_logical3A_478 : i32 to vector<16xi32>
      %shift_right_logical3A_480 = arith.shrui %get3A_378, %shift_right_logical3A_479 : vector<16xi32>
      %and3A_481 = arith.constant 255 : i32
      %and3A_482 = vector.broadcast %and3A_481 : i32 to vector<16xi32>
      %and3A_483 = arith.andi %shift_right_logical3A_480, %and3A_482 : vector<16xi32>
      %lt3A_484 = arith.constant 201 : i32
      %lt3A_485 = vector.broadcast %lt3A_484 : i32 to vector<16xi32>
      %lt3A_486 = arith.cmpi slt, %and3A_483, %lt3A_485 : vector<16xi32>
      tpu.vector_store_idx %arg5[%broadcast_in_dim3A_190, %and3A_483], %broadcast_in_dim3A_5 masked %lt3A_486 {add = true} : memref<128x208xf32, #tpu.memory_space<vmem>>[vector<16xi32>, vector<16xi32>], vector<16xf32>, vector<16xi1>
      %shift_right_logical3A_487 = arith.constant 24 : i32
      %shift_right_logical3A_488 = vector.broadcast %shift_right_logical3A_487 : i32 to vector<16xi32>
      %shift_right_logical3A_489 = arith.shrui %get3A_360, %shift_right_logical3A_488 : vector<16xi32>
      %and3A_490 = arith.constant 255 : i32
      %and3A_491 = vector.broadcast %and3A_490 : i32 to vector<16xi32>
      %and3A_492 = arith.andi %shift_right_logical3A_489, %and3A_491 : vector<16xi32>
      %lt3A_493 = arith.constant 201 : i32
      %lt3A_494 = vector.broadcast %lt3A_493 : i32 to vector<16xi32>
      %lt3A_495 = arith.cmpi slt, %and3A_492, %lt3A_494 : vector<16xi32>
      tpu.vector_store_idx %arg5[%broadcast_in_dim3A_187, %and3A_492], %broadcast_in_dim3A_5 masked %lt3A_495 {add = true} : memref<128x208xf32, #tpu.memory_space<vmem>>[vector<16xi32>, vector<16xi32>], vector<16xf32>, vector<16xi1>
      %shift_right_logical3A_496 = arith.constant 24 : i32
      %shift_right_logical3A_497 = vector.broadcast %shift_right_logical3A_496 : i32 to vector<16xi32>
      %shift_right_logical3A_498 = arith.shrui %get3A_366, %shift_right_logical3A_497 : vector<16xi32>
      %and3A_499 = arith.constant 255 : i32
      %and3A_500 = vector.broadcast %and3A_499 : i32 to vector<16xi32>
      %and3A_501 = arith.andi %shift_right_logical3A_498, %and3A_500 : vector<16xi32>
      %lt3A_502 = arith.constant 201 : i32
      %lt3A_503 = vector.broadcast %lt3A_502 : i32 to vector<16xi32>
      %lt3A_504 = arith.cmpi slt, %and3A_501, %lt3A_503 : vector<16xi32>
      tpu.vector_store_idx %arg5[%broadcast_in_dim3A_188, %and3A_501], %broadcast_in_dim3A_5 masked %lt3A_504 {add = true} : memref<128x208xf32, #tpu.memory_space<vmem>>[vector<16xi32>, vector<16xi32>], vector<16xf32>, vector<16xi1>
      %shift_right_logical3A_505 = arith.constant 24 : i32
      %shift_right_logical3A_506 = vector.broadcast %shift_right_logical3A_505 : i32 to vector<16xi32>
      %shift_right_logical3A_507 = arith.shrui %get3A_372, %shift_right_logical3A_506 : vector<16xi32>
      %and3A_508 = arith.constant 255 : i32
      %and3A_509 = vector.broadcast %and3A_508 : i32 to vector<16xi32>
      %and3A_510 = arith.andi %shift_right_logical3A_507, %and3A_509 : vector<16xi32>
      %lt3A_511 = arith.constant 201 : i32
      %lt3A_512 = vector.broadcast %lt3A_511 : i32 to vector<16xi32>
      %lt3A_513 = arith.cmpi slt, %and3A_510, %lt3A_512 : vector<16xi32>
      tpu.vector_store_idx %arg5[%broadcast_in_dim3A_189, %and3A_510], %broadcast_in_dim3A_5 masked %lt3A_513 {add = true} : memref<128x208xf32, #tpu.memory_space<vmem>>[vector<16xi32>, vector<16xi32>], vector<16xf32>, vector<16xi1>
      %shift_right_logical3A_514 = arith.constant 24 : i32
      %shift_right_logical3A_515 = vector.broadcast %shift_right_logical3A_514 : i32 to vector<16xi32>
      %shift_right_logical3A_516 = arith.shrui %get3A_378, %shift_right_logical3A_515 : vector<16xi32>
      %and3A_517 = arith.constant 255 : i32
      %and3A_518 = vector.broadcast %and3A_517 : i32 to vector<16xi32>
      %and3A_519 = arith.andi %shift_right_logical3A_516, %and3A_518 : vector<16xi32>
      %lt3A_520 = arith.constant 201 : i32
      %lt3A_521 = vector.broadcast %lt3A_520 : i32 to vector<16xi32>
      %lt3A_522 = arith.cmpi slt, %and3A_519, %lt3A_521 : vector<16xi32>
      tpu.vector_store_idx %arg5[%broadcast_in_dim3A_190, %and3A_519], %broadcast_in_dim3A_5 masked %lt3A_522 {add = true} : memref<128x208xf32, #tpu.memory_space<vmem>>[vector<16xi32>, vector<16xi32>], vector<16xf32>, vector<16xi1>
      %mul3A_523 = arith.constant 64 : i32
      %mul3A_524 = arith.muli %add3A_19, %mul3A_523 : i32
      %add3A_525 = arith.constant 32 : i32
      %add3A_526 = arith.addi %mul3A_524, %add3A_525 : i32
      %get3A_527 = arith.index_cast %add3A_526 : i32 to index
      %get3A_528 = tpu.vector_load %arg4[%get3A_527] {strides = array<i32>} : memref<8192xi32, #tpu.memory_space<vmem>>, vector<16xi32>,
      %mul3A_529 = arith.constant 64 : i32
      %mul3A_530 = arith.muli %add3A_23, %mul3A_529 : i32
      %add3A_531 = arith.constant 32 : i32
      %add3A_532 = arith.addi %mul3A_530, %add3A_531 : i32
      %get3A_533 = arith.index_cast %add3A_532 : i32 to index
      %get3A_534 = tpu.vector_load %arg4[%get3A_533] {strides = array<i32>} : memref<8192xi32, #tpu.memory_space<vmem>>, vector<16xi32>,
      %mul3A_535 = arith.constant 64 : i32
      %mul3A_536 = arith.muli %add3A_27, %mul3A_535 : i32
      %add3A_537 = arith.constant 32 : i32
      %add3A_538 = arith.addi %mul3A_536, %add3A_537 : i32
      %get3A_539 = arith.index_cast %add3A_538 : i32 to index
      %get3A_540 = tpu.vector_load %arg4[%get3A_539] {strides = array<i32>} : memref<8192xi32, #tpu.memory_space<vmem>>, vector<16xi32>,
      %mul3A_541 = arith.constant 64 : i32
      %mul3A_542 = arith.muli %add3A_31, %mul3A_541 : i32
      %add3A_543 = arith.constant 32 : i32
      %add3A_544 = arith.addi %mul3A_542, %add3A_543 : i32
      %get3A_545 = arith.index_cast %add3A_544 : i32 to index
      %get3A_546 = tpu.vector_load %arg4[%get3A_545] {strides = array<i32>} : memref<8192xi32, #tpu.memory_space<vmem>>, vector<16xi32>,
      %shift_right_logical3A_547 = arith.constant 0 : i32
      %shift_right_logical3A_548 = vector.broadcast %shift_right_logical3A_547 : i32 to vector<16xi32>
      %shift_right_logical3A_549 = arith.shrui %get3A_528, %shift_right_logical3A_548 : vector<16xi32>
      %and3A_550 = arith.constant 255 : i32
      %and3A_551 = vector.broadcast %and3A_550 : i32 to vector<16xi32>
      %and3A_552 = arith.andi %shift_right_logical3A_549, %and3A_551 : vector<16xi32>
      %lt3A_553 = arith.constant 201 : i32
      %lt3A_554 = vector.broadcast %lt3A_553 : i32 to vector<16xi32>
      %lt3A_555 = arith.cmpi slt, %and3A_552, %lt3A_554 : vector<16xi32>
      tpu.vector_store_idx %arg5[%broadcast_in_dim3A_187, %and3A_552], %broadcast_in_dim3A_5 masked %lt3A_555 {add = true} : memref<128x208xf32, #tpu.memory_space<vmem>>[vector<16xi32>, vector<16xi32>], vector<16xf32>, vector<16xi1>
      %shift_right_logical3A_556 = arith.constant 0 : i32
      %shift_right_logical3A_557 = vector.broadcast %shift_right_logical3A_556 : i32 to vector<16xi32>
      %shift_right_logical3A_558 = arith.shrui %get3A_534, %shift_right_logical3A_557 : vector<16xi32>
      %and3A_559 = arith.constant 255 : i32
      %and3A_560 = vector.broadcast %and3A_559 : i32 to vector<16xi32>
      %and3A_561 = arith.andi %shift_right_logical3A_558, %and3A_560 : vector<16xi32>
      %lt3A_562 = arith.constant 201 : i32
      %lt3A_563 = vector.broadcast %lt3A_562 : i32 to vector<16xi32>
      %lt3A_564 = arith.cmpi slt, %and3A_561, %lt3A_563 : vector<16xi32>
      tpu.vector_store_idx %arg5[%broadcast_in_dim3A_188, %and3A_561], %broadcast_in_dim3A_5 masked %lt3A_564 {add = true} : memref<128x208xf32, #tpu.memory_space<vmem>>[vector<16xi32>, vector<16xi32>], vector<16xf32>, vector<16xi1>
      %shift_right_logical3A_565 = arith.constant 0 : i32
      %shift_right_logical3A_566 = vector.broadcast %shift_right_logical3A_565 : i32 to vector<16xi32>
      %shift_right_logical3A_567 = arith.shrui %get3A_540, %shift_right_logical3A_566 : vector<16xi32>
      %and3A_568 = arith.constant 255 : i32
      %and3A_569 = vector.broadcast %and3A_568 : i32 to vector<16xi32>
      %and3A_570 = arith.andi %shift_right_logical3A_567, %and3A_569 : vector<16xi32>
      %lt3A_571 = arith.constant 201 : i32
      %lt3A_572 = vector.broadcast %lt3A_571 : i32 to vector<16xi32>
      %lt3A_573 = arith.cmpi slt, %and3A_570, %lt3A_572 : vector<16xi32>
      tpu.vector_store_idx %arg5[%broadcast_in_dim3A_189, %and3A_570], %broadcast_in_dim3A_5 masked %lt3A_573 {add = true} : memref<128x208xf32, #tpu.memory_space<vmem>>[vector<16xi32>, vector<16xi32>], vector<16xf32>, vector<16xi1>
      %shift_right_logical3A_574 = arith.constant 0 : i32
      %shift_right_logical3A_575 = vector.broadcast %shift_right_logical3A_574 : i32 to vector<16xi32>
      %shift_right_logical3A_576 = arith.shrui %get3A_546, %shift_right_logical3A_575 : vector<16xi32>
      %and3A_577 = arith.constant 255 : i32
      %and3A_578 = vector.broadcast %and3A_577 : i32 to vector<16xi32>
      %and3A_579 = arith.andi %shift_right_logical3A_576, %and3A_578 : vector<16xi32>
      %lt3A_580 = arith.constant 201 : i32
      %lt3A_581 = vector.broadcast %lt3A_580 : i32 to vector<16xi32>
      %lt3A_582 = arith.cmpi slt, %and3A_579, %lt3A_581 : vector<16xi32>
      tpu.vector_store_idx %arg5[%broadcast_in_dim3A_190, %and3A_579], %broadcast_in_dim3A_5 masked %lt3A_582 {add = true} : memref<128x208xf32, #tpu.memory_space<vmem>>[vector<16xi32>, vector<16xi32>], vector<16xf32>, vector<16xi1>
      %shift_right_logical3A_583 = arith.constant 8 : i32
      %shift_right_logical3A_584 = vector.broadcast %shift_right_logical3A_583 : i32 to vector<16xi32>
      %shift_right_logical3A_585 = arith.shrui %get3A_528, %shift_right_logical3A_584 : vector<16xi32>
      %and3A_586 = arith.constant 255 : i32
      %and3A_587 = vector.broadcast %and3A_586 : i32 to vector<16xi32>
      %and3A_588 = arith.andi %shift_right_logical3A_585, %and3A_587 : vector<16xi32>
      %lt3A_589 = arith.constant 201 : i32
      %lt3A_590 = vector.broadcast %lt3A_589 : i32 to vector<16xi32>
      %lt3A_591 = arith.cmpi slt, %and3A_588, %lt3A_590 : vector<16xi32>
      tpu.vector_store_idx %arg5[%broadcast_in_dim3A_187, %and3A_588], %broadcast_in_dim3A_5 masked %lt3A_591 {add = true} : memref<128x208xf32, #tpu.memory_space<vmem>>[vector<16xi32>, vector<16xi32>], vector<16xf32>, vector<16xi1>
      %shift_right_logical3A_592 = arith.constant 8 : i32
      %shift_right_logical3A_593 = vector.broadcast %shift_right_logical3A_592 : i32 to vector<16xi32>
      %shift_right_logical3A_594 = arith.shrui %get3A_534, %shift_right_logical3A_593 : vector<16xi32>
      %and3A_595 = arith.constant 255 : i32
      %and3A_596 = vector.broadcast %and3A_595 : i32 to vector<16xi32>
      %and3A_597 = arith.andi %shift_right_logical3A_594, %and3A_596 : vector<16xi32>
      %lt3A_598 = arith.constant 201 : i32
      %lt3A_599 = vector.broadcast %lt3A_598 : i32 to vector<16xi32>
      %lt3A_600 = arith.cmpi slt, %and3A_597, %lt3A_599 : vector<16xi32>
      tpu.vector_store_idx %arg5[%broadcast_in_dim3A_188, %and3A_597], %broadcast_in_dim3A_5 masked %lt3A_600 {add = true} : memref<128x208xf32, #tpu.memory_space<vmem>>[vector<16xi32>, vector<16xi32>], vector<16xf32>, vector<16xi1>
      %shift_right_logical3A_601 = arith.constant 8 : i32
      %shift_right_logical3A_602 = vector.broadcast %shift_right_logical3A_601 : i32 to vector<16xi32>
      %shift_right_logical3A_603 = arith.shrui %get3A_540, %shift_right_logical3A_602 : vector<16xi32>
      %and3A_604 = arith.constant 255 : i32
      %and3A_605 = vector.broadcast %and3A_604 : i32 to vector<16xi32>
      %and3A_606 = arith.andi %shift_right_logical3A_603, %and3A_605 : vector<16xi32>
      %lt3A_607 = arith.constant 201 : i32
      %lt3A_608 = vector.broadcast %lt3A_607 : i32 to vector<16xi32>
      %lt3A_609 = arith.cmpi slt, %and3A_606, %lt3A_608 : vector<16xi32>
      tpu.vector_store_idx %arg5[%broadcast_in_dim3A_189, %and3A_606], %broadcast_in_dim3A_5 masked %lt3A_609 {add = true} : memref<128x208xf32, #tpu.memory_space<vmem>>[vector<16xi32>, vector<16xi32>], vector<16xf32>, vector<16xi1>
      %shift_right_logical3A_610 = arith.constant 8 : i32
      %shift_right_logical3A_611 = vector.broadcast %shift_right_logical3A_610 : i32 to vector<16xi32>
      %shift_right_logical3A_612 = arith.shrui %get3A_546, %shift_right_logical3A_611 : vector<16xi32>
      %and3A_613 = arith.constant 255 : i32
      %and3A_614 = vector.broadcast %and3A_613 : i32 to vector<16xi32>
      %and3A_615 = arith.andi %shift_right_logical3A_612, %and3A_614 : vector<16xi32>
      %lt3A_616 = arith.constant 201 : i32
      %lt3A_617 = vector.broadcast %lt3A_616 : i32 to vector<16xi32>
      %lt3A_618 = arith.cmpi slt, %and3A_615, %lt3A_617 : vector<16xi32>
      tpu.vector_store_idx %arg5[%broadcast_in_dim3A_190, %and3A_615], %broadcast_in_dim3A_5 masked %lt3A_618 {add = true} : memref<128x208xf32, #tpu.memory_space<vmem>>[vector<16xi32>, vector<16xi32>], vector<16xf32>, vector<16xi1>
      %shift_right_logical3A_619 = arith.constant 16 : i32
      %shift_right_logical3A_620 = vector.broadcast %shift_right_logical3A_619 : i32 to vector<16xi32>
      %shift_right_logical3A_621 = arith.shrui %get3A_528, %shift_right_logical3A_620 : vector<16xi32>
      %and3A_622 = arith.constant 255 : i32
      %and3A_623 = vector.broadcast %and3A_622 : i32 to vector<16xi32>
      %and3A_624 = arith.andi %shift_right_logical3A_621, %and3A_623 : vector<16xi32>
      %lt3A_625 = arith.constant 201 : i32
      %lt3A_626 = vector.broadcast %lt3A_625 : i32 to vector<16xi32>
      %lt3A_627 = arith.cmpi slt, %and3A_624, %lt3A_626 : vector<16xi32>
      tpu.vector_store_idx %arg5[%broadcast_in_dim3A_187, %and3A_624], %broadcast_in_dim3A_5 masked %lt3A_627 {add = true} : memref<128x208xf32, #tpu.memory_space<vmem>>[vector<16xi32>, vector<16xi32>], vector<16xf32>, vector<16xi1>
      %shift_right_logical3A_628 = arith.constant 16 : i32
      %shift_right_logical3A_629 = vector.broadcast %shift_right_logical3A_628 : i32 to vector<16xi32>
      %shift_right_logical3A_630 = arith.shrui %get3A_534, %shift_right_logical3A_629 : vector<16xi32>
      %and3A_631 = arith.constant 255 : i32
      %and3A_632 = vector.broadcast %and3A_631 : i32 to vector<16xi32>
      %and3A_633 = arith.andi %shift_right_logical3A_630, %and3A_632 : vector<16xi32>
      %lt3A_634 = arith.constant 201 : i32
      %lt3A_635 = vector.broadcast %lt3A_634 : i32 to vector<16xi32>
      %lt3A_636 = arith.cmpi slt, %and3A_633, %lt3A_635 : vector<16xi32>
      tpu.vector_store_idx %arg5[%broadcast_in_dim3A_188, %and3A_633], %broadcast_in_dim3A_5 masked %lt3A_636 {add = true} : memref<128x208xf32, #tpu.memory_space<vmem>>[vector<16xi32>, vector<16xi32>], vector<16xf32>, vector<16xi1>
      %shift_right_logical3A_637 = arith.constant 16 : i32
      %shift_right_logical3A_638 = vector.broadcast %shift_right_logical3A_637 : i32 to vector<16xi32>
      %shift_right_logical3A_639 = arith.shrui %get3A_540, %shift_right_logical3A_638 : vector<16xi32>
      %and3A_640 = arith.constant 255 : i32
      %and3A_641 = vector.broadcast %and3A_640 : i32 to vector<16xi32>
      %and3A_642 = arith.andi %shift_right_logical3A_639, %and3A_641 : vector<16xi32>
      %lt3A_643 = arith.constant 201 : i32
      %lt3A_644 = vector.broadcast %lt3A_643 : i32 to vector<16xi32>
      %lt3A_645 = arith.cmpi slt, %and3A_642, %lt3A_644 : vector<16xi32>
      tpu.vector_store_idx %arg5[%broadcast_in_dim3A_189, %and3A_642], %broadcast_in_dim3A_5 masked %lt3A_645 {add = true} : memref<128x208xf32, #tpu.memory_space<vmem>>[vector<16xi32>, vector<16xi32>], vector<16xf32>, vector<16xi1>
      %shift_right_logical3A_646 = arith.constant 16 : i32
      %shift_right_logical3A_647 = vector.broadcast %shift_right_logical3A_646 : i32 to vector<16xi32>
      %shift_right_logical3A_648 = arith.shrui %get3A_546, %shift_right_logical3A_647 : vector<16xi32>
      %and3A_649 = arith.constant 255 : i32
      %and3A_650 = vector.broadcast %and3A_649 : i32 to vector<16xi32>
      %and3A_651 = arith.andi %shift_right_logical3A_648, %and3A_650 : vector<16xi32>
      %lt3A_652 = arith.constant 201 : i32
      %lt3A_653 = vector.broadcast %lt3A_652 : i32 to vector<16xi32>
      %lt3A_654 = arith.cmpi slt, %and3A_651, %lt3A_653 : vector<16xi32>
      tpu.vector_store_idx %arg5[%broadcast_in_dim3A_190, %and3A_651], %broadcast_in_dim3A_5 masked %lt3A_654 {add = true} : memref<128x208xf32, #tpu.memory_space<vmem>>[vector<16xi32>, vector<16xi32>], vector<16xf32>, vector<16xi1>
      %shift_right_logical3A_655 = arith.constant 24 : i32
      %shift_right_logical3A_656 = vector.broadcast %shift_right_logical3A_655 : i32 to vector<16xi32>
      %shift_right_logical3A_657 = arith.shrui %get3A_528, %shift_right_logical3A_656 : vector<16xi32>
      %and3A_658 = arith.constant 255 : i32
      %and3A_659 = vector.broadcast %and3A_658 : i32 to vector<16xi32>
      %and3A_660 = arith.andi %shift_right_logical3A_657, %and3A_659 : vector<16xi32>
      %lt3A_661 = arith.constant 201 : i32
      %lt3A_662 = vector.broadcast %lt3A_661 : i32 to vector<16xi32>
      %lt3A_663 = arith.cmpi slt, %and3A_660, %lt3A_662 : vector<16xi32>
      tpu.vector_store_idx %arg5[%broadcast_in_dim3A_187, %and3A_660], %broadcast_in_dim3A_5 masked %lt3A_663 {add = true} : memref<128x208xf32, #tpu.memory_space<vmem>>[vector<16xi32>, vector<16xi32>], vector<16xf32>, vector<16xi1>
      %shift_right_logical3A_664 = arith.constant 24 : i32
      %shift_right_logical3A_665 = vector.broadcast %shift_right_logical3A_664 : i32 to vector<16xi32>
      %shift_right_logical3A_666 = arith.shrui %get3A_534, %shift_right_logical3A_665 : vector<16xi32>
      %and3A_667 = arith.constant 255 : i32
      %and3A_668 = vector.broadcast %and3A_667 : i32 to vector<16xi32>
      %and3A_669 = arith.andi %shift_right_logical3A_666, %and3A_668 : vector<16xi32>
      %lt3A_670 = arith.constant 201 : i32
      %lt3A_671 = vector.broadcast %lt3A_670 : i32 to vector<16xi32>
      %lt3A_672 = arith.cmpi slt, %and3A_669, %lt3A_671 : vector<16xi32>
      tpu.vector_store_idx %arg5[%broadcast_in_dim3A_188, %and3A_669], %broadcast_in_dim3A_5 masked %lt3A_672 {add = true} : memref<128x208xf32, #tpu.memory_space<vmem>>[vector<16xi32>, vector<16xi32>], vector<16xf32>, vector<16xi1>
      %shift_right_logical3A_673 = arith.constant 24 : i32
      %shift_right_logical3A_674 = vector.broadcast %shift_right_logical3A_673 : i32 to vector<16xi32>
      %shift_right_logical3A_675 = arith.shrui %get3A_540, %shift_right_logical3A_674 : vector<16xi32>
      %and3A_676 = arith.constant 255 : i32
      %and3A_677 = vector.broadcast %and3A_676 : i32 to vector<16xi32>
      %and3A_678 = arith.andi %shift_right_logical3A_675, %and3A_677 : vector<16xi32>
      %lt3A_679 = arith.constant 201 : i32
      %lt3A_680 = vector.broadcast %lt3A_679 : i32 to vector<16xi32>
      %lt3A_681 = arith.cmpi slt, %and3A_678, %lt3A_680 : vector<16xi32>
      tpu.vector_store_idx %arg5[%broadcast_in_dim3A_189, %and3A_678], %broadcast_in_dim3A_5 masked %lt3A_681 {add = true} : memref<128x208xf32, #tpu.memory_space<vmem>>[vector<16xi32>, vector<16xi32>], vector<16xf32>, vector<16xi1>
      %shift_right_logical3A_682 = arith.constant 24 : i32
      %shift_right_logical3A_683 = vector.broadcast %shift_right_logical3A_682 : i32 to vector<16xi32>
      %shift_right_logical3A_684 = arith.shrui %get3A_546, %shift_right_logical3A_683 : vector<16xi32>
      %and3A_685 = arith.constant 255 : i32
      %and3A_686 = vector.broadcast %and3A_685 : i32 to vector<16xi32>
      %and3A_687 = arith.andi %shift_right_logical3A_684, %and3A_686 : vector<16xi32>
      %lt3A_688 = arith.constant 201 : i32
      %lt3A_689 = vector.broadcast %lt3A_688 : i32 to vector<16xi32>
      %lt3A_690 = arith.cmpi slt, %and3A_687, %lt3A_689 : vector<16xi32>
      tpu.vector_store_idx %arg5[%broadcast_in_dim3A_190, %and3A_687], %broadcast_in_dim3A_5 masked %lt3A_690 {add = true} : memref<128x208xf32, #tpu.memory_space<vmem>>[vector<16xi32>, vector<16xi32>], vector<16xf32>, vector<16xi1>
      %mul3A_691 = arith.constant 64 : i32
      %mul3A_692 = arith.muli %add3A_19, %mul3A_691 : i32
      %add3A_693 = arith.constant 48 : i32
      %add3A_694 = arith.addi %mul3A_692, %add3A_693 : i32
      %get3A_695 = arith.index_cast %add3A_694 : i32 to index
      %get3A_696 = tpu.vector_load %arg4[%get3A_695] {strides = array<i32>} : memref<8192xi32, #tpu.memory_space<vmem>>, vector<16xi32>,
      %mul3A_697 = arith.constant 64 : i32
      %mul3A_698 = arith.muli %add3A_23, %mul3A_697 : i32
      %add3A_699 = arith.constant 48 : i32
      %add3A_700 = arith.addi %mul3A_698, %add3A_699 : i32
      %get3A_701 = arith.index_cast %add3A_700 : i32 to index
      %get3A_702 = tpu.vector_load %arg4[%get3A_701] {strides = array<i32>} : memref<8192xi32, #tpu.memory_space<vmem>>, vector<16xi32>,
      %mul3A_703 = arith.constant 64 : i32
      %mul3A_704 = arith.muli %add3A_27, %mul3A_703 : i32
      %add3A_705 = arith.constant 48 : i32
      %add3A_706 = arith.addi %mul3A_704, %add3A_705 : i32
      %get3A_707 = arith.index_cast %add3A_706 : i32 to index
      %get3A_708 = tpu.vector_load %arg4[%get3A_707] {strides = array<i32>} : memref<8192xi32, #tpu.memory_space<vmem>>, vector<16xi32>,
      %mul3A_709 = arith.constant 64 : i32
      %mul3A_710 = arith.muli %add3A_31, %mul3A_709 : i32
      %add3A_711 = arith.constant 48 : i32
      %add3A_712 = arith.addi %mul3A_710, %add3A_711 : i32
      %get3A_713 = arith.index_cast %add3A_712 : i32 to index
      %get3A_714 = tpu.vector_load %arg4[%get3A_713] {strides = array<i32>} : memref<8192xi32, #tpu.memory_space<vmem>>, vector<16xi32>,
      %shift_right_logical3A_715 = arith.constant 0 : i32
      %shift_right_logical3A_716 = vector.broadcast %shift_right_logical3A_715 : i32 to vector<16xi32>
      %shift_right_logical3A_717 = arith.shrui %get3A_696, %shift_right_logical3A_716 : vector<16xi32>
      %and3A_718 = arith.constant 255 : i32
      %and3A_719 = vector.broadcast %and3A_718 : i32 to vector<16xi32>
      %and3A_720 = arith.andi %shift_right_logical3A_717, %and3A_719 : vector<16xi32>
      %lt3A_721 = arith.constant 201 : i32
      %lt3A_722 = vector.broadcast %lt3A_721 : i32 to vector<16xi32>
      %lt3A_723 = arith.cmpi slt, %and3A_720, %lt3A_722 : vector<16xi32>
      tpu.vector_store_idx %arg5[%broadcast_in_dim3A_187, %and3A_720], %broadcast_in_dim3A_5 masked %lt3A_723 {add = true} : memref<128x208xf32, #tpu.memory_space<vmem>>[vector<16xi32>, vector<16xi32>], vector<16xf32>, vector<16xi1>
      %shift_right_logical3A_724 = arith.constant 0 : i32
      %shift_right_logical3A_725 = vector.broadcast %shift_right_logical3A_724 : i32 to vector<16xi32>
      %shift_right_logical3A_726 = arith.shrui %get3A_702, %shift_right_logical3A_725 : vector<16xi32>
      %and3A_727 = arith.constant 255 : i32
      %and3A_728 = vector.broadcast %and3A_727 : i32 to vector<16xi32>
      %and3A_729 = arith.andi %shift_right_logical3A_726, %and3A_728 : vector<16xi32>
      %lt3A_730 = arith.constant 201 : i32
      %lt3A_731 = vector.broadcast %lt3A_730 : i32 to vector<16xi32>
      %lt3A_732 = arith.cmpi slt, %and3A_729, %lt3A_731 : vector<16xi32>
      tpu.vector_store_idx %arg5[%broadcast_in_dim3A_188, %and3A_729], %broadcast_in_dim3A_5 masked %lt3A_732 {add = true} : memref<128x208xf32, #tpu.memory_space<vmem>>[vector<16xi32>, vector<16xi32>], vector<16xf32>, vector<16xi1>
      %shift_right_logical3A_733 = arith.constant 0 : i32
      %shift_right_logical3A_734 = vector.broadcast %shift_right_logical3A_733 : i32 to vector<16xi32>
      %shift_right_logical3A_735 = arith.shrui %get3A_708, %shift_right_logical3A_734 : vector<16xi32>
      %and3A_736 = arith.constant 255 : i32
      %and3A_737 = vector.broadcast %and3A_736 : i32 to vector<16xi32>
      %and3A_738 = arith.andi %shift_right_logical3A_735, %and3A_737 : vector<16xi32>
      %lt3A_739 = arith.constant 201 : i32
      %lt3A_740 = vector.broadcast %lt3A_739 : i32 to vector<16xi32>
      %lt3A_741 = arith.cmpi slt, %and3A_738, %lt3A_740 : vector<16xi32>
      tpu.vector_store_idx %arg5[%broadcast_in_dim3A_189, %and3A_738], %broadcast_in_dim3A_5 masked %lt3A_741 {add = true} : memref<128x208xf32, #tpu.memory_space<vmem>>[vector<16xi32>, vector<16xi32>], vector<16xf32>, vector<16xi1>
      %shift_right_logical3A_742 = arith.constant 0 : i32
      %shift_right_logical3A_743 = vector.broadcast %shift_right_logical3A_742 : i32 to vector<16xi32>
      %shift_right_logical3A_744 = arith.shrui %get3A_714, %shift_right_logical3A_743 : vector<16xi32>
      %and3A_745 = arith.constant 255 : i32
      %and3A_746 = vector.broadcast %and3A_745 : i32 to vector<16xi32>
      %and3A_747 = arith.andi %shift_right_logical3A_744, %and3A_746 : vector<16xi32>
      %lt3A_748 = arith.constant 201 : i32
      %lt3A_749 = vector.broadcast %lt3A_748 : i32 to vector<16xi32>
      %lt3A_750 = arith.cmpi slt, %and3A_747, %lt3A_749 : vector<16xi32>
      tpu.vector_store_idx %arg5[%broadcast_in_dim3A_190, %and3A_747], %broadcast_in_dim3A_5 masked %lt3A_750 {add = true} : memref<128x208xf32, #tpu.memory_space<vmem>>[vector<16xi32>, vector<16xi32>], vector<16xf32>, vector<16xi1>
      %shift_right_logical3A_751 = arith.constant 8 : i32
      %shift_right_logical3A_752 = vector.broadcast %shift_right_logical3A_751 : i32 to vector<16xi32>
      %shift_right_logical3A_753 = arith.shrui %get3A_696, %shift_right_logical3A_752 : vector<16xi32>
      %and3A_754 = arith.constant 255 : i32
      %and3A_755 = vector.broadcast %and3A_754 : i32 to vector<16xi32>
      %and3A_756 = arith.andi %shift_right_logical3A_753, %and3A_755 : vector<16xi32>
      %lt3A_757 = arith.constant 201 : i32
      %lt3A_758 = vector.broadcast %lt3A_757 : i32 to vector<16xi32>
      %lt3A_759 = arith.cmpi slt, %and3A_756, %lt3A_758 : vector<16xi32>
      tpu.vector_store_idx %arg5[%broadcast_in_dim3A_187, %and3A_756], %broadcast_in_dim3A_5 masked %lt3A_759 {add = true} : memref<128x208xf32, #tpu.memory_space<vmem>>[vector<16xi32>, vector<16xi32>], vector<16xf32>, vector<16xi1>
      %shift_right_logical3A_760 = arith.constant 8 : i32
      %shift_right_logical3A_761 = vector.broadcast %shift_right_logical3A_760 : i32 to vector<16xi32>
      %shift_right_logical3A_762 = arith.shrui %get3A_702, %shift_right_logical3A_761 : vector<16xi32>
      %and3A_763 = arith.constant 255 : i32
      %and3A_764 = vector.broadcast %and3A_763 : i32 to vector<16xi32>
      %and3A_765 = arith.andi %shift_right_logical3A_762, %and3A_764 : vector<16xi32>
      %lt3A_766 = arith.constant 201 : i32
      %lt3A_767 = vector.broadcast %lt3A_766 : i32 to vector<16xi32>
      %lt3A_768 = arith.cmpi slt, %and3A_765, %lt3A_767 : vector<16xi32>
      tpu.vector_store_idx %arg5[%broadcast_in_dim3A_188, %and3A_765], %broadcast_in_dim3A_5 masked %lt3A_768 {add = true} : memref<128x208xf32, #tpu.memory_space<vmem>>[vector<16xi32>, vector<16xi32>], vector<16xf32>, vector<16xi1>
      %shift_right_logical3A_769 = arith.constant 8 : i32
      %shift_right_logical3A_770 = vector.broadcast %shift_right_logical3A_769 : i32 to vector<16xi32>
      %shift_right_logical3A_771 = arith.shrui %get3A_708, %shift_right_logical3A_770 : vector<16xi32>
      %and3A_772 = arith.constant 255 : i32
      %and3A_773 = vector.broadcast %and3A_772 : i32 to vector<16xi32>
      %and3A_774 = arith.andi %shift_right_logical3A_771, %and3A_773 : vector<16xi32>
      %lt3A_775 = arith.constant 201 : i32
      %lt3A_776 = vector.broadcast %lt3A_775 : i32 to vector<16xi32>
      %lt3A_777 = arith.cmpi slt, %and3A_774, %lt3A_776 : vector<16xi32>
      tpu.vector_store_idx %arg5[%broadcast_in_dim3A_189, %and3A_774], %broadcast_in_dim3A_5 masked %lt3A_777 {add = true} : memref<128x208xf32, #tpu.memory_space<vmem>>[vector<16xi32>, vector<16xi32>], vector<16xf32>, vector<16xi1>
      %shift_right_logical3A_778 = arith.constant 8 : i32
      %shift_right_logical3A_779 = vector.broadcast %shift_right_logical3A_778 : i32 to vector<16xi32>
      %shift_right_logical3A_780 = arith.shrui %get3A_714, %shift_right_logical3A_779 : vector<16xi32>
      %and3A_781 = arith.constant 255 : i32
      %and3A_782 = vector.broadcast %and3A_781 : i32 to vector<16xi32>
      %and3A_783 = arith.andi %shift_right_logical3A_780, %and3A_782 : vector<16xi32>
      %lt3A_784 = arith.constant 201 : i32
      %lt3A_785 = vector.broadcast %lt3A_784 : i32 to vector<16xi32>
      %lt3A_786 = arith.cmpi slt, %and3A_783, %lt3A_785 : vector<16xi32>
      tpu.vector_store_idx %arg5[%broadcast_in_dim3A_190, %and3A_783], %broadcast_in_dim3A_5 masked %lt3A_786 {add = true} : memref<128x208xf32, #tpu.memory_space<vmem>>[vector<16xi32>, vector<16xi32>], vector<16xf32>, vector<16xi1>
      %shift_right_logical3A_787 = arith.constant 16 : i32
      %shift_right_logical3A_788 = vector.broadcast %shift_right_logical3A_787 : i32 to vector<16xi32>
      %shift_right_logical3A_789 = arith.shrui %get3A_696, %shift_right_logical3A_788 : vector<16xi32>
      %and3A_790 = arith.constant 255 : i32
      %and3A_791 = vector.broadcast %and3A_790 : i32 to vector<16xi32>
      %and3A_792 = arith.andi %shift_right_logical3A_789, %and3A_791 : vector<16xi32>
      %lt3A_793 = arith.constant 201 : i32
      %lt3A_794 = vector.broadcast %lt3A_793 : i32 to vector<16xi32>
      %lt3A_795 = arith.cmpi slt, %and3A_792, %lt3A_794 : vector<16xi32>
      tpu.vector_store_idx %arg5[%broadcast_in_dim3A_187, %and3A_792], %broadcast_in_dim3A_5 masked %lt3A_795 {add = true} : memref<128x208xf32, #tpu.memory_space<vmem>>[vector<16xi32>, vector<16xi32>], vector<16xf32>, vector<16xi1>
      %shift_right_logical3A_796 = arith.constant 16 : i32
      %shift_right_logical3A_797 = vector.broadcast %shift_right_logical3A_796 : i32 to vector<16xi32>
      %shift_right_logical3A_798 = arith.shrui %get3A_702, %shift_right_logical3A_797 : vector<16xi32>
      %and3A_799 = arith.constant 255 : i32
      %and3A_800 = vector.broadcast %and3A_799 : i32 to vector<16xi32>
      %and3A_801 = arith.andi %shift_right_logical3A_798, %and3A_800 : vector<16xi32>
      %lt3A_802 = arith.constant 201 : i32
      %lt3A_803 = vector.broadcast %lt3A_802 : i32 to vector<16xi32>
      %lt3A_804 = arith.cmpi slt, %and3A_801, %lt3A_803 : vector<16xi32>
      tpu.vector_store_idx %arg5[%broadcast_in_dim3A_188, %and3A_801], %broadcast_in_dim3A_5 masked %lt3A_804 {add = true} : memref<128x208xf32, #tpu.memory_space<vmem>>[vector<16xi32>, vector<16xi32>], vector<16xf32>, vector<16xi1>
      %shift_right_logical3A_805 = arith.constant 16 : i32
      %shift_right_logical3A_806 = vector.broadcast %shift_right_logical3A_805 : i32 to vector<16xi32>
      %shift_right_logical3A_807 = arith.shrui %get3A_708, %shift_right_logical3A_806 : vector<16xi32>
      %and3A_808 = arith.constant 255 : i32
      %and3A_809 = vector.broadcast %and3A_808 : i32 to vector<16xi32>
      %and3A_810 = arith.andi %shift_right_logical3A_807, %and3A_809 : vector<16xi32>
      %lt3A_811 = arith.constant 201 : i32
      %lt3A_812 = vector.broadcast %lt3A_811 : i32 to vector<16xi32>
      %lt3A_813 = arith.cmpi slt, %and3A_810, %lt3A_812 : vector<16xi32>
      tpu.vector_store_idx %arg5[%broadcast_in_dim3A_189, %and3A_810], %broadcast_in_dim3A_5 masked %lt3A_813 {add = true} : memref<128x208xf32, #tpu.memory_space<vmem>>[vector<16xi32>, vector<16xi32>], vector<16xf32>, vector<16xi1>
      %shift_right_logical3A_814 = arith.constant 16 : i32
      %shift_right_logical3A_815 = vector.broadcast %shift_right_logical3A_814 : i32 to vector<16xi32>
      %shift_right_logical3A_816 = arith.shrui %get3A_714, %shift_right_logical3A_815 : vector<16xi32>
      %and3A_817 = arith.constant 255 : i32
      %and3A_818 = vector.broadcast %and3A_817 : i32 to vector<16xi32>
      %and3A_819 = arith.andi %shift_right_logical3A_816, %and3A_818 : vector<16xi32>
      %lt3A_820 = arith.constant 201 : i32
      %lt3A_821 = vector.broadcast %lt3A_820 : i32 to vector<16xi32>
      %lt3A_822 = arith.cmpi slt, %and3A_819, %lt3A_821 : vector<16xi32>
      tpu.vector_store_idx %arg5[%broadcast_in_dim3A_190, %and3A_819], %broadcast_in_dim3A_5 masked %lt3A_822 {add = true} : memref<128x208xf32, #tpu.memory_space<vmem>>[vector<16xi32>, vector<16xi32>], vector<16xf32>, vector<16xi1>
      %shift_right_logical3A_823 = arith.constant 24 : i32
      %shift_right_logical3A_824 = vector.broadcast %shift_right_logical3A_823 : i32 to vector<16xi32>
      %shift_right_logical3A_825 = arith.shrui %get3A_696, %shift_right_logical3A_824 : vector<16xi32>
      %and3A_826 = arith.constant 255 : i32
      %and3A_827 = vector.broadcast %and3A_826 : i32 to vector<16xi32>
      %and3A_828 = arith.andi %shift_right_logical3A_825, %and3A_827 : vector<16xi32>
      %lt3A_829 = arith.constant 201 : i32
      %lt3A_830 = vector.broadcast %lt3A_829 : i32 to vector<16xi32>
      %lt3A_831 = arith.cmpi slt, %and3A_828, %lt3A_830 : vector<16xi32>
      tpu.vector_store_idx %arg5[%broadcast_in_dim3A_187, %and3A_828], %broadcast_in_dim3A_5 masked %lt3A_831 {add = true} : memref<128x208xf32, #tpu.memory_space<vmem>>[vector<16xi32>, vector<16xi32>], vector<16xf32>, vector<16xi1>
      %shift_right_logical3A_832 = arith.constant 24 : i32
      %shift_right_logical3A_833 = vector.broadcast %shift_right_logical3A_832 : i32 to vector<16xi32>
      %shift_right_logical3A_834 = arith.shrui %get3A_702, %shift_right_logical3A_833 : vector<16xi32>
      %and3A_835 = arith.constant 255 : i32
      %and3A_836 = vector.broadcast %and3A_835 : i32 to vector<16xi32>
      %and3A_837 = arith.andi %shift_right_logical3A_834, %and3A_836 : vector<16xi32>
      %lt3A_838 = arith.constant 201 : i32
      %lt3A_839 = vector.broadcast %lt3A_838 : i32 to vector<16xi32>
      %lt3A_840 = arith.cmpi slt, %and3A_837, %lt3A_839 : vector<16xi32>
      tpu.vector_store_idx %arg5[%broadcast_in_dim3A_188, %and3A_837], %broadcast_in_dim3A_5 masked %lt3A_840 {add = true} : memref<128x208xf32, #tpu.memory_space<vmem>>[vector<16xi32>, vector<16xi32>], vector<16xf32>, vector<16xi1>
      %shift_right_logical3A_841 = arith.constant 24 : i32
      %shift_right_logical3A_842 = vector.broadcast %shift_right_logical3A_841 : i32 to vector<16xi32>
      %shift_right_logical3A_843 = arith.shrui %get3A_708, %shift_right_logical3A_842 : vector<16xi32>
      %and3A_844 = arith.constant 255 : i32
      %and3A_845 = vector.broadcast %and3A_844 : i32 to vector<16xi32>
      %and3A_846 = arith.andi %shift_right_logical3A_843, %and3A_845 : vector<16xi32>
      %lt3A_847 = arith.constant 201 : i32
      %lt3A_848 = vector.broadcast %lt3A_847 : i32 to vector<16xi32>
      %lt3A_849 = arith.cmpi slt, %and3A_846, %lt3A_848 : vector<16xi32>
      tpu.vector_store_idx %arg5[%broadcast_in_dim3A_189, %and3A_846], %broadcast_in_dim3A_5 masked %lt3A_849 {add = true} : memref<128x208xf32, #tpu.memory_space<vmem>>[vector<16xi32>, vector<16xi32>], vector<16xf32>, vector<16xi1>
      %shift_right_logical3A_850 = arith.constant 24 : i32
      %shift_right_logical3A_851 = vector.broadcast %shift_right_logical3A_850 : i32 to vector<16xi32>
      %shift_right_logical3A_852 = arith.shrui %get3A_714, %shift_right_logical3A_851 : vector<16xi32>
      %and3A_853 = arith.constant 255 : i32
      %and3A_854 = vector.broadcast %and3A_853 : i32 to vector<16xi32>
      %and3A_855 = arith.andi %shift_right_logical3A_852, %and3A_854 : vector<16xi32>
      %lt3A_856 = arith.constant 201 : i32
      %lt3A_857 = vector.broadcast %lt3A_856 : i32 to vector<16xi32>
      %lt3A_858 = arith.cmpi slt, %and3A_855, %lt3A_857 : vector<16xi32>
      tpu.vector_store_idx %arg5[%broadcast_in_dim3A_190, %and3A_855], %broadcast_in_dim3A_5 masked %lt3A_858 {add = true} : memref<128x208xf32, #tpu.memory_space<vmem>>[vector<16xi32>, vector<16xi32>], vector<16xf32>, vector<16xi1>
      %scan3A_859 = arith.constant 0 : i32
      scf.yield %scan3A_859 : i32
    }
    %scan3A_13 = arith.constant 32 : i32
    "tpu.region"() ({
      %run_scoped3A = tpu.sem_alloc : memref<!tpu.dma_semaphore, #tpu.memory_space<semaphore_mem>>
      %dma_start3A = arith.constant 0 : i32
      %dma_start3A_14 = tpu.memref_slice %arg3[%mul3A_2, %dma_start3A] : memref<4096x208xf32, #tpu.memory_space<hbm>> -> memref<128x208xf32, #tpu.memory_space<hbm>>
      %dma_start3A_15 = arith.constant 0 : i32
      %dma_start3A_16 = tpu.memref_slice %arg3[%mul3A_2, %dma_start3A_15] : memref<4096x208xf32, #tpu.memory_space<hbm>> -> memref<128x208xf32, #tpu.memory_space<hbm>>
      tpu.enqueue_dma source(%arg5 : memref<128x208xf32, #tpu.memory_space<vmem>>) target(%dma_start3A_16 : memref<128x208xf32, #tpu.memory_space<hbm>>) target_semaphore(%run_scoped3A : memref<!tpu.dma_semaphore, #tpu.memory_space<semaphore_mem>>)
      %dma_wait3A = arith.constant 0 : i32
      %dma_wait3A_17 = tpu.memref_slice %arg3[%mul3A_2, %dma_wait3A] : memref<4096x208xf32, #tpu.memory_space<hbm>> -> memref<128x208xf32, #tpu.memory_space<hbm>>
      %dma_wait3A_18 = arith.constant 0 : i32
      %dma_wait3A_19 = tpu.memref_slice %arg3[%mul3A_2, %dma_wait3A_18] : memref<4096x208xf32, #tpu.memory_space<hbm>> -> memref<128x208xf32, #tpu.memory_space<hbm>>
      tpu.wait_dma2 semaphore(%run_scoped3A : memref<!tpu.dma_semaphore, #tpu.memory_space<semaphore_mem>>) src(%arg5 : memref<128x208xf32, #tpu.memory_space<vmem>>) dst(%dma_wait3A_19 : memref<128x208xf32, #tpu.memory_space<hbm>>)
      tpu.yield
    }) : () -> ()
    return
  }
}

module attributes {stable_mosaic.version = 14 : i64} {
  func.func @_tc_body(%arg0: i32, %arg1: memref<2048x64xf32, #tpu.memory_space<vmem>>, %arg2: memref<2048x208xf32, #tpu.memory_space<vmem>>, %arg3: memref<208x64xf32, #tpu.memory_space<vmem>>, %arg4: memref<2048x64xf32, #tpu.memory_space<vmem>>) attributes {dimension_semantics = [#tpu.dimension_semantics<arbitrary>], iteration_bounds = array<i64: 2>, scalar_prefetch = 0 : i64, scratch_operands = 0 : i64, tpu.core_type = #tpu.core_type<tc>, window_params = [{transform_indices = @transform_0, window_bounds = array<i64: 2048, 64>}, {transform_indices = @transform_1, window_bounds = array<i64: 2048, 208>}, {pipeline_mode = #tpu.pipeline_mode<synchronous>, transform_indices = @transform_2, window_bounds = array<i64: 208, 64>}, {transform_indices = @transform_3, window_bounds = array<i64: 2048, 64>}]} {
    %get3A = arith.constant 0 : index
    %get3A_0 = arith.constant 0 : index
    %get3A_1 = vector.load %arg1[%get3A, %get3A_0] : memref<2048x64xf32, #tpu.memory_space<vmem>>, vector<2048x64xf32>
    %get3A_2 = arith.constant 0 : index
    %get3A_3 = arith.constant 0 : index
    %get3A_4 = vector.load %arg2[%get3A_2, %get3A_3] : memref<2048x208xf32, #tpu.memory_space<vmem>>, vector<2048x208xf32>
    %get3A_5 = arith.constant 0 : index
    %get3A_6 = arith.constant 0 : index
    %get3A_7 = vector.load %arg3[%get3A_5, %get3A_6] : memref<208x64xf32, #tpu.memory_space<vmem>>, vector<208x64xf32>
    %dot_general3A = arith.constant dense<0.000000e+00> : vector<2048x64xf32>
    %dot_general3A_8 = tpu.matmul %get3A_4, %get3A_7, %dot_general3A {dimension_numbers = #tpu.dot_dimension_numbers<[1], [0], [0], [1], [0, 0, 1, 1], [], []>, transpose_lhs_hint = false} : vector<2048x208xf32>, vector<208x64xf32>, vector<2048x64xf32> -> vector<2048x64xf32>
    %add3A = arith.addf %get3A_1, %dot_general3A_8 : vector<2048x64xf32>
    %swap3A = arith.constant 0 : index
    %swap3A_9 = arith.constant 0 : index
    %swap3A_10 = vector.load %arg4[%swap3A, %swap3A_9] : memref<2048x64xf32, #tpu.memory_space<vmem>>, vector<2048x64xf32>
    tpu.vector_store %arg4[%swap3A, %swap3A_9], %add3A {strides = array<i32>} : memref<2048x64xf32, #tpu.memory_space<vmem>>, vector<2048x64xf32>,
    return
  }
  func.func @transform_0(%arg0: i32) -> (i32, i32) {
    %c0_i32 = arith.constant 0 : i32
    %c0_i32_0 = arith.constant 0 : i32
    return %arg0, %c0_i32 : i32, i32
  }
  func.func @transform_1(%arg0: i32) -> (i32, i32) {
    %c0_i32 = arith.constant 0 : i32
    %c0_i32_0 = arith.constant 0 : i32
    return %arg0, %c0_i32 : i32, i32
  }
  func.func @transform_2(%arg0: i32) -> (i32, i32) {
    %c0_i32 = arith.constant 0 : i32
    %c0_i32_0 = arith.constant 0 : i32
    %c0_i32_1 = arith.constant 0 : i32
    return %c0_i32, %c0_i32_0 : i32, i32
  }
  func.func @transform_3(%arg0: i32) -> (i32, i32) {
    %c0_i32 = arith.constant 0 : i32
    %c0_i32_0 = arith.constant 0 : i32
    return %arg0, %c0_i32 : i32, i32
  }
}

</mosaic_0001>

<sc_bundles>
// kernel: kernel.4.cloned.1.call-start
scs
__scs_entry_jumppad:
0x0: {  	(pc) =	sbr.rel $0x88, $3  }
0x1: {  	(tag) =	ssettag $0x0;
	lr =	simm.s32 $0x1  }
0x2: {  	[smem:$0x3F9E] =	sst lr;
	_ =	strace $0xD0000000  }
0x3: {  	_ = 	snop  }
0x4: {  	_ = 	snop  }
0x5: {  	_ = 	snop  }
0x6: {  	_ = 	snop  }
0x7: {  	_ = 	snop  }
__scs_overlays_trampoline_lowered:
0x8: {  	[smem:$0x3FAD] =	sst s0  }
0x9: {  	[smem:$0x3FAE] =	sst s1  }
0xa: {  	[smem:$0x3FAF] =	sst s2  }
0xb: {  	[smem:$0x3FB0] =	sst s3  }
0xc: {  	[smem:$0x3FB1] =	sst s4  }
0xd: {  	[smem:$0x3FB2] =	sst s5  }
0xe: {  	[smem:$0x3FB3] =	sst s6  }
0xf: {  	[smem:$0x3FB4] =	sst s7  }
0x10: {  	[smem:$0x3FB5] =	sst s8  }
0x11: {  	[smem:$0x3FB6] =	sst s9;
	s0 =	simm.s32 @!p0 $0x0  }
0x12: {  	s1 =	sld [smem:$0x3F9C];
	s0 =	simm.s32 @p0 $0x1  }
0x13: {  	[smem:$0x3FB7] =	sst s0;
	s0 =	simm.s32 @!p1 $0x0  }
0x14: {  	s2 =	sld [smem:$0x3F9B];
	s0 =	simm.s32 @p1 $0x1  }
0x15: {  	[smem:$0x3FB8] =	sst s0;
	s0 =	simm.s32 @!p2 $0x0  }
0x16: {  	s3 =	sld [smem:$0x3FDB];
	s0 =	simm.s32 @p2 $0x1  }
0x17: {  	s4 =	simm.s32 $0x1BF5;
	[smem:$0x3FBA] =	sst s0  }
0x18: {  	s0 =	sld [smem:$0x3F9D];
	_ =	swait.ge [sflag:s4], $0x0  }
0x19: {  	s7 =	sld [smem:$0x3F9E]  }
0x1a: {  	s8 =	sadd.s32 $0xFFFFE003, lr  }
0x1b: {  	s9 =	sadd.s32 $0xFFFFFEF7, lr;
	s5 =	simm.s32 $0xFFFFFFFF;
	p2 =	slt.u32 s8, $0xFFFFF086  }
0x1c: {  	p1 =	slt.u32 s9, $0xF7A;
	s5 =	simm.s32 @!p2 $0x0  }
0x1d: {  	s5 =	simm.s32 @p1 $0x1;
	p0 =	seq.s32 s7, s2  }
0x1e: {  	s7 =	smul.u32 @!p0 $0xF7A, s2;
	p2 =	seq.s32 @!p0 s5, $0x0  }
0x1f: {  	s9 =	smul.u32 $0xF7A, s1;
	s8 =	simm.s32 @!p0 $0x1BF5;
	p2 =	por !p2, p0  }
0x20: {  	[sflag:s8] =	ssyncset.s32 @!p0 $0xFFFFF086;
	s6 =	sadd.s32 @!p0 s3, s7;
	s7 =	simm.s32 @!p0 $0x108  }
0x21: {  	s3 =	sadd.s32 s3, s9;
	s6 =	sadd.s32 @!p0 $0x88, s6;
	s7 =	simm.s32 @p2 $0x1082  }
0x22: {  	[simem:s7], [sflag:s8] =	dma.local @!p0 [hbm:s6], $0xF7A  }
0x23: {  	s9 =	sor.u32 $0xD0000000, s2;
	s6 =	simm.s32 $0x108;
	_ =	swait.ge @!p0 [sflag:s8], $0x0  }
0x24: {  	s3 =	sadd.s32 $0x88, s3;
	s6 =	simm.s32 @!p1 $0x1082;
	[sflag:s4] =	ssyncset.s32 $0xFFFFF086  }
0x25: {  	[simem:s6], [sflag:s4] =	dma.local [hbm:s3], $0xF7A  }
0x26: {  	[smem:$0x3F9E] =	sst s1;
	(tag) =	ssettag s2;
	_ =	strace s9  }
0x27: {  	s1 =	sld [smem:$0x3FAE]  }
0x28: {  	s2 =	sld [smem:$0x3FAF]  }
0x29: {  	s4 =	sld [smem:$0x3FB1]  }
0x2a: {  	p0 =	seq.s32 s5, $0x0;
	s5 =	sld [smem:$0x3FB2]  }
0x2b: {  	s6 =	sld [smem:$0x3FB3]  }
0x2c: {  	s7 =	sld [smem:$0x3FB4]  }
0x2d: {  	s3 =	simm.s32 $0x108;
	s8 =	sld [smem:$0x3FB5]  }
0x2e: {  	s3 =	simm.s32 @!p0 $0x1082;
	s9 =	sld [smem:$0x3FB6]  }
0x2f: {  	lr =	sadd.s32 s0, s3;
	s0 =	sld [smem:$0x3FAD]  }
0x30: {  	s3 =	sld [smem:$0x3FB0]  }
0x31: {  	[smem:$0x3FB9] =	sst s10  }
0x32: {  	s10 =	sld [smem:$0x3FB7];
	_ =	sdelay $0x3  }
0x33: {  	p0 =	seq.s32 s10, $0x1;
	s10 =	sld [smem:$0x3FB9];
	_ =	sdelay $0x3  }
0x34: {  	[smem:$0x3FB9] =	sst s10  }
0x35: {  	s10 =	sld [smem:$0x3FB8];
	_ =	sdelay $0x3  }
0x36: {  	p1 =	seq.s32 s10, $0x1;
	s10 =	sld [smem:$0x3FB9];
	_ =	sdelay $0x3  }
0x37: {  	[smem:$0x3FB9] =	sst s10  }
0x38: {  	s10 =	sld [smem:$0x3FBA]  }
0x39: {  	_ = 	snop;
	(pc) =	sbr.ind lr, $3  }
0x3a: {  	_ = 	snop  }
0x3b: {  	_ = 	snop  }
0x3c: {  	p2 =	seq.s32 s10, $0x1;
	s10 =	sld [smem:$0x3FB9]  }
0x3d: {  	_ =	shalt  }
0x3e: {  	_ =	shalt  }
0x3f: {  	_ =	shalt  }
0x40: {  	_ =	shalt  }
0x41: {  	_ =	shalt  }
0x42: {  	_ =	shalt  }
0x43: {  	_ =	shalt  }
0x44: {  	_ =	shalt  }
0x45: {  	_ =	shalt  }
0x46: {  	_ =	shalt  }
0x47: {  	_ =	shalt  }
0x48: {  	_ =	shalt  }
0x49: {  	_ =	shalt  }
0x4a: {  	_ =	shalt  }
0x4b: {  	_ =	shalt  }
0x4c: {  	_ =	shalt  }
0x4d: {  	_ =	shalt  }
0x4e: {  	_ =	shalt  }
0x4f: {  	_ =	shalt  }
0x50: {  	_ =	shalt  }
0x51: {  	_ =	shalt  }
0x52: {  	_ =	shalt  }
0x53: {  	_ =	shalt  }
0x54: {  	_ =	shalt  }
0x55: {  	_ =	shalt  }
0x56: {  	_ =	shalt  }
0x57: {  	_ =	shalt  }
0x58: {  	_ =	shalt  }
0x59: {  	_ =	shalt  }
0x5a: {  	_ =	shalt  }
0x5b: {  	_ =	shalt  }
0x5c: {  	_ =	shalt  }
0x5d: {  	_ =	shalt  }
0x5e: {  	_ =	shalt  }
0x5f: {  	_ =	shalt  }
0x60: {  	_ =	shalt  }
0x61: {  	_ =	shalt  }
0x62: {  	_ =	shalt  }
0x63: {  	_ =	shalt  }
0x64: {  	_ =	shalt  }
0x65: {  	_ =	shalt  }
0x66: {  	_ =	shalt  }
0x67: {  	_ =	shalt  }
0x68: {  	_ =	shalt  }
0x69: {  	_ =	shalt  }
0x6a: {  	_ =	shalt  }
0x6b: {  	_ =	shalt  }
0x6c: {  	_ =	shalt  }
0x6d: {  	_ =	shalt  }
0x6e: {  	_ =	shalt  }
0x6f: {  	_ =	shalt  }
0x70: {  	_ =	shalt  }
0x71: {  	_ =	shalt  }
0x72: {  	_ =	shalt  }
0x73: {  	_ =	shalt  }
0x74: {  	_ =	shalt  }
0x75: {  	_ =	shalt  }
0x76: {  	_ =	shalt  }
0x77: {  	_ =	shalt  }
0x78: {  	_ =	shalt  }
0x79: {  	_ =	shalt  }
0x7a: {  	_ =	shalt  }
0x7b: {  	_ =	shalt  }
0x7c: {  	_ =	shalt  }
0x7d: {  	_ =	shalt  }
0x7e: {  	_ =	shalt  }
0x7f: {  	_ =	shalt  }
0x80: {  	_ =	shalt  }
0x81: {  	_ =	shalt  }
0x82: {  	_ =	shalt  }
0x83: {  	_ =	shalt  }
0x84: {  	_ =	shalt  }
0x85: {  	_ =	shalt  }
0x86: {  	_ =	shalt  }
0x87: {  	_ =	shalt  }
.Lfunc_end0:
.L_simem_size_0:
called_computation_lowered:
.L_overlay_start_0:
0x88: {  	s2 =	sld [smem:$0x3FD9]  }
0x89: {  	s3 =	sld [smem:$0x3FFE];
	_ =	sdelay $0x1  }
0x8a: {  	s1 =	srdreg.scid  }
0x8b: {  	s0 =	sand.u32 $0x1, s1  }
0x8c: {  	s17 =	sshll.u32 s0, $0xA;
	s2 =	sadd.s32 s3, s2  }
0x8d: {  	s2 =	sadd.s32 s2, s17  }
0x8e: {  	[smem:$0x3FC5] =	sst s2  }
0x8f: {  	_ = 	snop  }
0x90: {  	s2 =	sld [smem:$0x3FD0];
	(tm) =	ssettm $0x1  }
0x91: {  	s18 =	sld [smem:$0x3FFB];
	_ =	sdelay $0x3  }
0x92: {  	_ =	strace s18  }
0x93: {  	s3 =	sld [smem:$0x3FFC];
	_ =	sdelay $0x3  }
0x94: {  	_ =	strace s3  }
0x95: {  	s3 =	sld [smem:$0x3FFD];
	_ =	sdelay $0x3  }
0x96: {  	_ =	strace s3  }
0x97: {  	_ =	strace $0x8FFFFFFF  }
0x98: {  	s19 =	sld [smem:$0x3FDB];
	_ =	sdelay $0x1  }
0x99: {  	s4 =	simm.s32 $_scs_section_size  }
0x9a: {  	s5 =	simm.s32 $_size__tile_overlayer_lowered;
	s6 =	simm.s32 $_tile_overlayer_lowered  }
0x9b: {  	s22 =	simm.s32 $0x1BFF;
	s21 =	sshll.u32 s6, $0x1;
	s3 =	sadd.s32 s4, s19  }
0x9c: {  	s7 =	simm.s32 $0x0;
	s20 =	sshll.u32 s5, $0x1;
	s5 =	sadd.s32 s21, s3  }
0x9d: {  	[timem:s7], [sflag:s22] =	dma.local [hbm:s5], s20  }
0x9e: {  	_ =	swait.ge [sflag:s22], s20  }
0x9f: {  	s4 =	ssub.s32 $0x0, s20;
	[sflag:s22] =	ssyncset.done $0x0  }
0xa0: {  	[sflag:s22] =	ssyncadd.s32 s4;
	_ =	sdelay $0x1  }
0xa1: {  	s23 =	simm.s32 $0x1B8B  }
0xa2: {  	_ =	swait.ge [sflag:s23], $0x1  }
0xa3: {  	[sflag:s23] =	ssyncset.done $0x0  }
0xa4: {  	s25 =	simm.s32 $0x1B8E;
	s24 =	sld [smem:$0x3FFE];
	[sflag:s23] =	ssyncadd.s32 $0xFFFFFFFF  }
0xa5: {  	s26 =	simm.s32 $execute0_lowered;
	[smem:$0x3FD2] =	sst s25  }
0xa6: {  	s5 =	sshll.u32 s26, $0x1;
	_ =	strace $0x80000046;
	[dreg:$0x1] =	wrdreg $0xFFFFFFFF  }
0xa7: {  	s28 =	simm.s32 $_size_execute0_lowered;
	s3 =	sadd.s32 s3, s5;
	[dreg:$0x0] =	wrdreg $0x0  }
0xa8: {  	s5 =	sshll.u32 s28, $0x1;
	[dreg:$0x2] =	wrdreg s3  }
0xa9: {  	[dreg:$0x3] =	wrdreg s5  }
0xaa: {  	[dreg:$0x4] =	wrdreg $0xC0  }
0xab: {  	_ =	task [dreg:s7], $0x5FFFF  }
0xac: {  	[dreg:$0x1] =	wrdreg $0xFFFFFFFF  }
0xad: {  	[dreg:$0x0] =	wrdreg $0x60  }
0xae: {  	[dreg:$0x2] =	wrdreg s2  }
0xaf: {  	[dreg:$0x3] =	wrdreg s24  }
0xb0: {  	[dreg:$0x4] =	wrdreg $0x9  }
0xb1: {  	_ =	task.clear_ibuf [dreg:s7], $0x5FFFF;
	_ =	strace $0x90000046  }
0xb2: {  	s29 =	simm.s32 $0x9;
	_ =	strace $0x80000048  }
0xb3: {  	_ =	swait.ge [sflag:s29], $0x1  }
0xb4: {  	[sflag:s29] =	ssyncadd.s32 $0xFFFFFFFF  }
0xb5: {  	_ =	strace $0x90000048  }
0xb6: {  	_ =	sfence  }
0xb7: {  	s30 =	sld [smem:$0x0];
	_ =	sdelay $0x2  }
0xb8: {  	s31 =	sshll.u32 s1, $0xD;
	s1 =	sshrl.u32 s1, $0x2  }
0xb9: {  	s3 =	sand.u32 $0x4000, s31;
	s1 =	sadd.s32 s1, s30  }
0xba: {  	s0 =	sor.u32 s3, s0;
	s1 =	sshll.u32 s1, $0x11  }
0xbb: {  	s0 =	sor.u32 s1, s0  }
0xbc: {  	s0 =	sadd.s32 $0x8F2B, s0  }
0xbd: {  	[sflag:s0] =	ssyncadd.remote.s32 $0x1  }
0xbe: {  	_ =	sfence.sel $0xFFFF  }
0xbf: {  	[dreg:$0x0] =	wrdreg $0xFFFFFFFF;
	(pc) =	sbr.abs _section_cstart, $3  }
0xc0: {  	[dreg:$0x1] =	wrdreg $0xFFFFFFFF  }
0xc1: {  	_ =	task.clear_ibuf [dreg:s7], $0x2FFFF;
	_ =	strace $0x9FFFFFFF  }
0xc2: {  	(tm) =	ssettm $0x7FFFFFFF  }
0xc3: {  	_ =	shalt  }
tec
execute0_lowered:
.L_overlay_start_1:
0x0: {  	(tag) =	ssettag $0x1  }
0x1: {  	s3 =	rddreg [dreg:$0x0]  }
0x2: {  	s4 =	rddreg [dreg:$0x1]  }
0x3: {  	s0 =	rddreg [dreg:$0x2]  }
0x4: {  	s5 =	srdreg.scid;
	s1 =	stileid.u32  }
0x5: {  	s2 =	simm.s32 $0x0;
	s5 =	sand.u32 $0x1, s5;
	s6 =	sshll.u32 s1, $0x1  }
0x6: {  	[smem:$0x7FF] =	sst s2;
	s6 =	sor.u32 s5, s6;
	s5 =	ssub.s32 $0x2, s5  }
0x7: {  	_ =	strace $0x80000047;
	s7 =	sshll.u32 s6, $0xC;
	s8 =	sshrl.u32 s5, $0x1  }
0x8: {  	s6 =	sshll.u32 s6, $0xA;
	s4 =	sadd.s32 s7, s4;
	s5 =	ssub.s32 s5, s8  }
0x9: {  	s3 =	sadd.s32 s3, s6;
	s6 =	simm.s32 $0x1;
	s7 =	simm.s32 $0x2000  }
0xa: {  	v0 =	vimm.f32 $0.0e+00;
	v1 =	vimm.f32 $1.000000000e+00;
	s8 =	simm.s32 $0x0;
	s4 =	sadd.s32 $0xA00, s4;
	s5 =	smax.u32 s5, $0x1  }
.LBB2_1:
0xb: {  	[tilespmem:s2], [sflag:$0x1] =	stream.linear.gather [hbm4b:s3+s2], $0x2000, $0x38;
	[tilespmem:$0xA000] =	vst v63  }
0xc: {  	s9 =	simm.s32 $0xC0  }
0xd: {  	p0 =	por $0x0, $0x0;
	s10 =	simm.s32 $0x0;
	_ =	swait.ge [sflag:s6], $0x2000  }
0xe: {  	s11 =	simm.s32 $0x0;
	s12 =	simm.s32 $0x0;
	[sflag:s6] =	ssyncset.done $0x0  }
0xf: {  	s13 =	simm.s32 $0x0;
	s14 =	simm.s32 $0x0;
	[sflag:s6] =	ssyncadd.s32 $0xFFFFE000  }
.LBB2_2:
0x10: {  	s15 =	sand.u32 $0x7800, s14  }
0x11: {  	s16 =	sand.u32 $0x200, s13;
	s15 =	sadd.s32 $0x2000, s15  }
0x12: {  	s16 =	sor.u32 s16, s15  }
0x13: {  	[tilespmem:s16+$0x0] =	vst v0  }
0x14: {  	[tilespmem:s16+$0x10] =	vst v0  }
0x15: {  	[tilespmem:s16+$0x20] =	vst v0  }
0x16: {  	s17 =	simm.s32 $0x1;
	[tilespmem:s16+$0x30] =	vst v0  }
0x17: {  	s17 =	simm.s32 @!p0 $0x0;
	[tilespmem:s16+$0x40] =	vst v0  }
0x18: {  	s17 =	sshll.u32 s17, $0x9;
	[tilespmem:s16+$0x50] =	vst v0  }
0x19: {  	[tilespmem:s16+$0x60] =	vst v0;
	s17 =	sadd.s32 s17, s14  }
0x1a: {  	[tilespmem:s16+$0x70] =	vst v0;
	s18 =	sor.u32 $0x400, s17  }
0x1b: {  	s19 =	sor.u32 $0x410, s17;
	[tilespmem:s18+$0x2000] =	vst v0  }
0x1c: {  	s20 =	sor.u32 $0x420, s17;
	[tilespmem:s19+$0x2000] =	vst v0  }
0x1d: {  	s21 =	sor.u32 $0x430, s17;
	s18 =	sadd.s32 $0x80, s13;
	[tilespmem:s20+$0x2000] =	vst v0  }
0x1e: {  	s22 =	sor.u32 $0x440, s17;
	s23 =	sand.u32 $0x280, s18;
	[tilespmem:s21+$0x2000] =	vst v0  }
0x1f: {  	s24 =	sor.u32 s23, s15;
	[tilespmem:s22+$0x2000] =	vst v0  }
0x20: {  	[tilespmem:s24+$0x0] =	vst v0  }
0x21: {  	[tilespmem:s24+$0x10] =	vst v0  }
0x22: {  	[tilespmem:s24+$0x20] =	vst v0  }
0x23: {  	s25 =	sand.u32 $0x7, s11;
	[tilespmem:s24+$0x30] =	vst v0  }
0x24: {  	s17 =	sshll.u32 s25, $0x7;
	[tilespmem:s24+$0x40] =	vst v0  }
0x25: {  	s17 =	sadd.s32 s17, s14;
	[tilespmem:s24+$0x50] =	vst v0  }
0x26: {  	s26 =	sadd.s32 $0x80, s17;
	[tilespmem:s24+$0x60] =	vst v0  }
0x27: {  	s28 =	sor.u32 $0x400, s26;
	[tilespmem:s24+$0x70] =	vst v0  }
0x28: {  	s29 =	sor.u32 $0x410, s26;
	[tilespmem:s28+$0x2000] =	vst v0  }
0x29: {  	s30 =	sor.u32 $0x420, s26;
	[tilespmem:s29+$0x2000] =	vst v0  }
0x2a: {  	s19 =	sadd.s32 $0x100, s13;
	s31 =	sor.u32 $0x430, s26;
	[tilespmem:s30+$0x2000] =	vst v0  }
0x2b: {  	s18 =	sor.u32 $0x440, s26;
	s19 =	sand.u32 $0x300, s19;
	[tilespmem:s31+$0x2000] =	vst v0  }
0x2c: {  	s20 =	sor.u32 s19, s15;
	[tilespmem:s18+$0x2000] =	vst v0  }
0x2d: {  	[tilespmem:s20+$0x0] =	vst v0  }
0x2e: {  	[tilespmem:s20+$0x10] =	vst v0  }
0x2f: {  	[tilespmem:s20+$0x20] =	vst v0  }
0x30: {  	s21 =	sand.u32 $0x3, s10;
	[tilespmem:s20+$0x30] =	vst v0  }
0x31: {  	s18 =	sshll.u32 s21, $0x8;
	[tilespmem:s20+$0x40] =	vst v0  }
0x32: {  	s18 =	sadd.s32 s14, s18;
	[tilespmem:s20+$0x50] =	vst v0  }
0x33: {  	[tilespmem:s20+$0x60] =	vst v0;
	s18 =	sadd.s32 $0x100, s18  }
0x34: {  	[tilespmem:s20+$0x70] =	vst v0;
	s22 =	sor.u32 $0x400, s18  }
0x35: {  	s23 =	sor.u32 $0x410, s18;
	[tilespmem:s22+$0x2000] =	vst v0  }
0x36: {  	s24 =	sor.u32 $0x420, s18;
	[tilespmem:s23+$0x2000] =	vst v0  }
0x37: {  	s26 =	sadd.s32 $0x180, s13;
	s25 =	sor.u32 $0x430, s18;
	[tilespmem:s24+$0x2000] =	vst v0  }
0x38: {  	s29 =	sand.u32 $0x380, s26;
	s28 =	sor.u32 $0x440, s18;
	[tilespmem:s25+$0x2000] =	vst v0  }
0x39: {  	s15 =	sor.u32 s29, s15;
	[tilespmem:s28+$0x2000] =	vst v0  }
0x3a: {  	[tilespmem:s15+$0x0] =	vst v0  }
0x3b: {  	[tilespmem:s15+$0x10] =	vst v0  }
0x3c: {  	[tilespmem:s15+$0x20] =	vst v0  }
0x3d: {  	[tilespmem:s15+$0x30] =	vst v0  }
0x3e: {  	[tilespmem:s15+$0x40] =	vst v0  }
0x3f: {  	[tilespmem:s15+$0x50] =	vst v0  }
0x40: {  	s30 =	sadd.s32 $0x180, s17;
	[tilespmem:s15+$0x60] =	vst v0  }
0x41: {  	s31 =	sor.u32 $0x400, s30;
	[tilespmem:s15+$0x70] =	vst v0  }
0x42: {  	s17 =	sor.u32 $0x410, s30;
	[tilespmem:s31+$0x2000] =	vst v0  }
0x43: {  	s18 =	sor.u32 $0x420, s30;
	[tilespmem:s17+$0x2000] =	vst v0  }
0x44: {  	s19 =	sor.u32 $0x430, s30;
	[tilespmem:s18+$0x2000] =	vst v0  }
0x45: {  	s20 =	sor.u32 $0x440, s30;
	[tilespmem:s19+$0x2000] =	vst v0  }
0x46: {  	s21 =	sshra.s32 s14, $0x2;
	[tilespmem:s20+$0x2000] =	vst v0  }
0x47: {  	v2 =	vmov s12;
	v11 =	vld [tilespmem:s21+$0x0]  }
0x48: {  	v9 =	vshll.u32 v2, $0x8;
	v2 =	vshll.u32 v2, $0x7;
	s22 =	sadd.s32 $0x1, s12;
	s23 =	sadd.s32 $0x2, s12;
	v12 =	vld [tilespmem:s21+$0x40]  }
0x49: {  	v9 =	vand.u32 $0x7800, v9;
	v3 =	vmov s22;
	s24 =	sadd.s32 $0x3, s12;
	v6 =	vmov s23;
	v10 =	vld [tilespmem:s21+$0x80]  }
0x4a: {  	v24 =	vshll.u32 v3, $0x8;
	v3 =	vshll.u32 v3, $0x7;
	v8 =	vmov s24  }
0x4b: {  	v17 =	vshll.u32 v6, $0x8;
	v19 =	vshll.u32 v8, $0x8;
	v8 =	vshll.u32 v8, $0x7  }
0x4c: {  	v6 =	vshll.u32 v6, $0x7;
	v8 =	vand.u32 $0x380, v8;
	v4 =	vand.u32 $0xFF, v11  }
0x4d: {  	v5 =	vshll.u32 v11, $0x3;
	v7 =	vand.u32 $0x7F, v11;
	v23 =	vshll.u32 v12, $0x3  }
0x4e: {  	v13 =	vand.u32 $0x7F, v12;
	v16 =	vand.u32 $0x7F, v10;
	v30 =	vshrl.u32 v11, $0x8  }
0x4f: {  	v31 =	vand.u32 $0xFF00, v11;
	v32 =	vshrl.u32 v11, $0x5;
	v33 =	vshrl.u32 v12, $0x8  }
0x50: {  	v21 =	vshrl.u32 v12, $0x5;
	v36 =	vand.u32 $0xFF00, v12;
	v37 =	vshrl.u32 v10, $0x8  }
0x51: {  	v38 =	vand.u32 $0xFF00, v10;
	v39 =	vshrl.u32 v10, $0x5;
	v43 =	vshrl.u32 v11, $0x10  }
0x52: {  	v44 =	vand.u32 $0xFF0000, v11;
	v45 =	vshrl.u32 v11, $0xD;
	v48 =	vand.u32 $0xFF0000, v12  }
0x53: {  	v49 =	vshrl.u32 v10, $0x10;
	v50 =	vand.u32 $0xFF0000, v10;
	v56 =	vshrl.u32 v11, $0x18  }
0x54: {  	v57 =	vshrl.u32 v11, $0x15;
	v60 =	vshrl.u32 v12, $0x15;
	v61 =	vshrl.u32 v12, $0x18  }
0x55: {  	vm14 =	vlt.u32 v11, $0xC9000000;
	vm15 =	vlt.u32 v12, $0xC9000000;
	v5 =	vand.u32 $0x400, v5  }
0x56: {  	vm0 =	vlt.u32 v4, $0xC9;
	v4 =	vand.u32 $0x400, v23;
	vm4 =	vlt.u32 v31, $0xC900  }
0x57: {  	v34 =	vand.u32 $0x7F, v33;
	v35 =	vand.u32 $0x400, v21;
	vm5 =	vlt.u32 v36, $0xC900  }
0x58: {  	vm6 =	vlt.u32 v38, $0xC900;
	v21 =	vand.u32 $0x400, v39;
	vm8 =	vlt.u32 v44, $0xC90000  }
0x59: {  	vm9 =	vlt.u32 v48, $0xC90000;
	vm10 =	vlt.u32 v50, $0xC90000;
	v58 =	vand.u32 $0x7F, v56  }
0x5a: {  	v59 =	vand.u32 $0x400, v57;
	v62 =	vand.u32 $0x400, v60;
	v5 =	vor.u32 v5, v7  }
0x5b: {  	v7 =	vand.u32 $0x200, v2;
	v15 =	vor.u32 v4, v13;
	v4 =	vand.u32 $0x280, v3  }
0x5c: {  	v3 =	vand.u32 $0xFF, v10;
	v2 =	vor.u32 v9, v5;
	v5 =	vand.u32 $0x7800, v24  }
0x5d: {  	v13 =	vld [tilespmem:s21+$0xC0];
	vm2 =	vlt.u32 v3, $0xC9;
	v3 =	vand.u32 $0x300, v6;
	v6 =	vand.u32 $0x7800, v19  }
0x5e: {  	v19 =	vand.u32 $0x400, v32;
	v14 =	vor.u32 v7, v2;
	v2 =	vand.u32 $0xFF, v12  }
0x5f: {  	v24 =	vshrl.u32 v12, $0x10;
	vm1 =	vlt.u32 v2, $0xC9;
	v2 =	vor.u32 v5, v15  }
0x60: {  	v46 =	vand.u32 $0x7F, v24;
	v15 =	vor.u32 v4, v2;
	v2 =	vshll.u32 v10, $0x3  }
0x61: {  	v24 =	vand.u32 $0x7F, v49;
	v18 =	vand.u32 $0x400, v2;
	v2 =	vand.u32 $0x7800, v17  }
0x62: {  	v26 =	vand.u32 $0xFF, v13;
	v27 =	vshll.u32 v13, $0x3;
	v28 =	vand.u32 $0x7F, v13  }
0x63: {  	v22 =	vshrl.u32 v13, $0x8;
	v23 =	vshrl.u32 v13, $0x5;
	v42 =	vand.u32 $0xFF00, v13  }
0x64: {  	v52 =	vshrl.u32 v13, $0x10;
	v53 =	vshrl.u32 v13, $0xD;
	v54 =	vand.u32 $0xFF0000, v13  }
0x65: {  	v31 =	vshrl.u32 v13, $0x18;
	v16 =	vor.u32 v18, v16;
	v20 =	vand.u32 $0x400, v27  }
0x66: {  	vm3 =	vlt.u32 v26, $0xC9;
	v40 =	vand.u32 $0x7F, v22;
	v41 =	vand.u32 $0x400, v23  }
0x67: {  	vm7 =	vlt.u32 v42, $0xC900;
	v22 =	vand.u32 $0x7F, v43;
	v23 =	vand.u32 $0x400, v45  }
0x68: {  	v26 =	vshrl.u32 v10, $0xD;
	vm11 =	vlt.u32 v54, $0xC90000;
	v25 =	vor.u32 v2, v16  }
0x69: {  	v18 =	vor.u32 v20, v28;
	v20 =	vand.u32 $0x7F, v37;
	v22 =	vor.u32 v23, v22  }
0x6a: {  	v51 =	vand.u32 $0x400, v26;
	v26 =	vand.u32 $0x400, v53;
	v16 =	vor.u32 v3, v25  }
0x6b: {  	v29 =	vor.u32 v6, v18;
	v18 =	vand.u32 $0x7F, v30;
	v20 =	vor.u32 v21, v20  }
0x6c: {  	v21 =	vor.u32 v41, v40;
	v25 =	vshrl.u32 v12, $0xD;
	v22 =	vor.u32 v9, v22  }
0x6d: {  	v24 =	vor.u32 v51, v24;
	v17 =	vor.u32 v8, v29;
	v18 =	vor.u32 v19, v18  }
0x6e: {  	v19 =	vor.u32 v35, v34;
	v20 =	vor.u32 v2, v20;
	v21 =	vor.u32 v6, v21  }
0x6f: {  	[tilespmem:v14+s7+$0x0] =	vst.idx.add.f32.msk vm0, v1;
	v47 =	vand.u32 $0x400, v25;
	v22 =	vor.u32 v7, v22;
	v18 =	vor.u32 v9, v18  }
0x70: {  	v24 =	vor.u32 v2, v24;
	v19 =	vor.u32 v5, v19;
	v18 =	vor.u32 v7, v18  }
0x71: {  	v25 =	vand.u32 $0x7F, v52;
	[tilespmem:v15+s7+$0x0] =	vst.idx.add.f32.msk vm1, v1;
	v15 =	vor.u32 v59, v58;
	v19 =	vor.u32 v4, v19  }
0x72: {  	v20 =	vor.u32 v3, v20;
	v21 =	vor.u32 v8, v21;
	v23 =	vor.u32 v47, v46  }
0x73: {  	v28 =	vshrl.u32 v10, $0x18;
	v25 =	vor.u32 v26, v25;
	v24 =	vor.u32 v3, v24;
	[tilespmem:v16+s7+$0x0] =	vst.idx.add.f32.msk vm2, v1  }
0x74: {  	v30 =	vshrl.u32 v13, $0x15;
	v63 =	vor.u32 v9, v15;
	v23 =	vor.u32 v5, v23;
	[tilespmem:v17+s7+$0x0] =	vst.idx.add.f32.msk vm3, v1  }
0x75: {  	v29 =	vshrl.u32 v10, $0x15;
	v26 =	vor.u32 v62, v61;
	v23 =	vor.u32 v4, v23;
	[tilespmem:v18+s7+$0x0] =	vst.idx.add.f32.msk vm4, v1  }
0x76: {  	v15 =	vand.u32 $0x7F, v28;
	v25 =	vor.u32 v6, v25;
	v11 =	vor.u32 v7, v63;
	[tilespmem:v19+s7+$0x0] =	vst.idx.add.f32.msk vm5, v1  }
0x77: {  	v27 =	vor.u32 v5, v26;
	v55 =	vor.u32 v8, v25;
	v16 =	vand.u32 $0x400, v29;
	[tilespmem:v20+s7+$0x0] =	vst.idx.add.f32.msk vm6, v1  }
0x78: {  	v12 =	vor.u32 v4, v27;
	v15 =	vor.u32 v16, v15;
	v17 =	vand.u32 $0x400, v30;
	[tilespmem:v21+s7+$0x0] =	vst.idx.add.f32.msk vm7, v1  }
0x79: {  	vm12 =	vlt.u32 v10, $0xC9000000;
	v32 =	vor.u32 v2, v15;
	v33 =	vor.u32 v17, v31;
	[tilespmem:v22+s7+$0x0] =	vst.idx.add.f32.msk vm8, v1  }
0x7a: {  	vm13 =	vlt.u32 v13, $0xC9000000;
	v10 =	vor.u32 v3, v32;
	v34 =	vor.u32 v6, v33;
	[tilespmem:v23+s7+$0x0] =	vst.idx.add.f32.msk vm9, v1  }
0x7b: {  	v13 =	vor.u32 v8, v34;
	[tilespmem:v24+s7+$0x0] =	vst.idx.add.f32.msk vm10, v1  }
0x7c: {  	[tilespmem:v55+s7+$0x0] =	vst.idx.add.f32.msk vm11, v1  }
0x7d: {  	[tilespmem:v11+s7+$0x0] =	vst.idx.add.f32.msk vm14, v1  }
0x7e: {  	[tilespmem:v12+s7+$0x0] =	vst.idx.add.f32.msk vm15, v1  }
0x7f: {  	[tilespmem:v10+s7+$0x0] =	vst.idx.add.f32.msk vm12, v1  }
0x80: {  	s25 =	sadd.s32 $0xFFFFFF80, s9;
	[tilespmem:v13+s7+$0x0] =	vst.idx.add.f32.msk vm13, v1  }
0x81: {  	s26 =	sor.u32 $0x50, s25;
	v12 =	vld [tilespmem:s21+$0x10]  }
0x82: {  	v13 =	vld [tilespmem:s26+$0x0]  }
0x83: {  	s28 =	sor.u32 $0x50, s9;
	v10 =	vld [tilespmem:s21+$0x90]  }
0x84: {  	v11 =	vld [tilespmem:s28+$0x0];
	_ =	sdelay $0x1  }
0x85: {  	v35 =	vshll.u32 v12, $0x3  }
0x86: {  	v36 =	vand.u32 $0xFF, v12;
	v37 =	vand.u32 $0x7F, v12;
	v40 =	vshll.u32 v13, $0x3  }
0x87: {  	v41 =	vand.u32 $0x7F, v13;
	v42 =	vand.u32 $0xFF, v13;
	v43 =	vand.u32 $0xFF, v10  }
0x88: {  	v44 =	vshll.u32 v10, $0x3;
	v45 =	vand.u32 $0x7F, v10;
	v46 =	vshll.u32 v11, $0x3  }
0x89: {  	v47 =	vand.u32 $0x7F, v11;
	v48 =	vand.u32 $0xFF, v11;
	v49 =	vshrl.u32 v12, $0x8  }
0x8a: {  	v50 =	vand.u32 $0xFF00, v12;
	v51 =	vshrl.u32 v12, $0x5;
	v52 =	vshrl.u32 v13, $0x8  }
0x8b: {  	v53 =	vshrl.u32 v13, $0x5;
	v56 =	vand.u32 $0xFF00, v13;
	v57 =	vshrl.u32 v10, $0x8  }
0x8c: {  	v58 =	vand.u32 $0xFF00, v10;
	v59 =	vshrl.u32 v10, $0x5;
	v60 =	vshrl.u32 v11, $0x8  }
0x8d: {  	v61 =	vshrl.u32 v11, $0x5;
	v24 =	vand.u32 $0xFF00, v11;
	v25 =	vshrl.u32 v12, $0x10  }
0x8e: {  	v26 =	vand.u32 $0xFF0000, v12;
	v27 =	vshrl.u32 v12, $0xD;
	v28 =	vshrl.u32 v13, $0x10  }
0x8f: {  	v29 =	vshrl.u32 v13, $0xD;
	v32 =	vand.u32 $0xFF0000, v13;
	v33 =	vshrl.u32 v10, $0x10  }
0x90: {  	v34 =	vand.u32 $0xFF0000, v10;
	v38 =	vand.u32 $0x400, v35;
	vm0 =	vlt.u32 v36, $0xC9  }
0x91: {  	v15 =	vand.u32 $0x400, v40;
	vm1 =	vlt.u32 v42, $0xC9;
	vm2 =	vlt.u32 v43, $0xC9  }
0x92: {  	v16 =	vand.u32 $0x400, v44;
	v18 =	vand.u32 $0x400, v46;
	vm14 =	vlt.u32 v48, $0xC9  }
0x93: {  	vm15 =	vlt.u32 v50, $0xC900;
	v19 =	vand.u32 $0x400, v51;
	v54 =	vand.u32 $0x7F, v52  }
0x94: {  	v55 =	vand.u32 $0x400, v53;
	vm5 =	vlt.u32 v56, $0xC900;
	vm6 =	vlt.u32 v58, $0xC900  }
0x95: {  	v20 =	vand.u32 $0x7F, v57;
	v21 =	vand.u32 $0x400, v59;
	v62 =	vand.u32 $0x7F, v60  }
0x96: {  	v63 =	vand.u32 $0x400, v61;
	vm7 =	vlt.u32 v24, $0xC900;
	vm12 =	vlt.u32 v26, $0xC90000  }
0x97: {  	v22 =	vand.u32 $0x7F, v25;
	v23 =	vand.u32 $0x400, v27;
	v30 =	vand.u32 $0x7F, v28  }
0x98: {  	v31 =	vand.u32 $0x400, v29;
	vm13 =	vlt.u32 v32, $0xC90000;
	v35 =	vshrl.u32 v10, $0xD  }
0x99: {  	vm10 =	vlt.u32 v34, $0xC90000;
	v24 =	vand.u32 $0x7F, v33;
	v42 =	vshrl.u32 v12, $0x15  }
0x9a: {  	v46 =	vshrl.u32 v13, $0x18;
	v51 =	vshrl.u32 v10, $0x18;
	v52 =	vshrl.u32 v10, $0x15  }
0x9b: {  	v53 =	vshrl.u32 v11, $0x15;
	v39 =	vor.u32 v38, v37;
	v15 =	vor.u32 v15, v41  }
0x9c: {  	v16 =	vor.u32 v16, v45;
	v17 =	vor.u32 v18, v47;
	v18 =	vand.u32 $0x7F, v49  }
0x9d: {  	v20 =	vor.u32 v21, v20;
	v21 =	vor.u32 v63, v62;
	v22 =	vor.u32 v23, v22  }
0x9e: {  	v23 =	vor.u32 v31, v30;
	v36 =	vand.u32 $0x400, v35;
	v37 =	vshrl.u32 v11, $0x10  }
0x9f: {  	v38 =	vshrl.u32 v11, $0xD;
	v41 =	vshrl.u32 v12, $0x18;
	v44 =	vand.u32 $0x400, v42  }
0xa0: {  	v45 =	vshrl.u32 v13, $0x15;
	v14 =	vor.u32 v9, v39;
	v15 =	vor.u32 v5, v15  }
0xa1: {  	v16 =	vor.u32 v2, v16;
	v17 =	vor.u32 v6, v17;
	v18 =	vor.u32 v19, v18  }
0xa2: {  	v19 =	vor.u32 v55, v54;
	v20 =	vor.u32 v2, v20;
	v21 =	vor.u32 v6, v21  }
0xa3: {  	v22 =	vor.u32 v9, v22;
	v23 =	vor.u32 v5, v23;
	v14 =	vor.u32 v7, v14  }
0xa4: {  	v24 =	vor.u32 v36, v24;
	v25 =	vand.u32 $0x7F, v37;
	v15 =	vor.u32 v4, v15  }
0xa5: {  	v26 =	vand.u32 $0x400, v38;
	v16 =	vor.u32 v3, v16;
	v17 =	vor.u32 v8, v17  }
0xa6: {  	v18 =	vor.u32 v9, v18;
	v19 =	vor.u32 v5, v19;
	v20 =	vor.u32 v3, v20  }
0xa7: {  	v21 =	vor.u32 v8, v21;
	v22 =	vor.u32 v7, v22;
	v18 =	vor.u32 v7, v18  }
0xa8: {  	v39 =	vand.u32 $0xFF0000, v11;
	v23 =	vor.u32 v4, v23;
	v19 =	vor.u32 v4, v19;
	[tilespmem:v14+s7+$0x0] =	vst.idx.add.f32.msk vm0, v1  }
0xa9: {  	v47 =	vand.u32 $0x400, v45;
	v24 =	vor.u32 v2, v24;
	v25 =	vor.u32 v26, v25;
	[tilespmem:v15+s7+$0x0] =	vst.idx.add.f32.msk vm1, v1  }
0xaa: {  	v43 =	vand.u32 $0x7F, v41;
	v49 =	vor.u32 v47, v46;
	v24 =	vor.u32 v3, v24;
	[tilespmem:v16+s7+$0x0] =	vst.idx.add.f32.msk vm2, v1  }
0xab: {  	v54 =	vshrl.u32 v11, $0x18;
	v25 =	vor.u32 v6, v25;
	v50 =	vor.u32 v5, v49;
	[tilespmem:v17+s7+$0x0] =	vst.idx.add.f32.msk vm14, v1  }
0xac: {  	vm11 =	vlt.u32 v39, $0xC90000;
	v40 =	vor.u32 v8, v25;
	v15 =	vor.u32 v44, v43;
	[tilespmem:v18+s7+$0x0] =	vst.idx.add.f32.msk vm15, v1  }
0xad: {  	v48 =	vor.u32 v9, v15;
	v15 =	vand.u32 $0x7F, v51;
	v16 =	vand.u32 $0x400, v52;
	[tilespmem:v19+s7+$0x0] =	vst.idx.add.f32.msk vm5, v1  }
0xae: {  	vm14 =	vlt.u32 v12, $0xC9000000;
	v12 =	vor.u32 v7, v48;
	v15 =	vor.u32 v16, v15;
	[tilespmem:v20+s7+$0x0] =	vst.idx.add.f32.msk vm6, v1  }
0xaf: {  	v17 =	vand.u32 $0x400, v53;
	vm15 =	vlt.u32 v13, $0xC9000000;
	v13 =	vor.u32 v4, v50;
	[tilespmem:v21+s7+$0x0] =	vst.idx.add.f32.msk vm7, v1  }
0xb0: {  	v55 =	vor.u32 v2, v15;
	v56 =	vor.u32 v17, v54;
	[tilespmem:v22+s7+$0x0] =	vst.idx.add.f32.msk vm12, v1;
	vm12 =	vlt.u32 v10, $0xC9000000  }
0xb1: {  	v57 =	vor.u32 v6, v56;
	v10 =	vor.u32 v3, v55;
	[tilespmem:v23+s7+$0x0] =	vst.idx.add.f32.msk vm13, v1;
	vm13 =	vlt.u32 v11, $0xC9000000  }
0xb2: {  	v11 =	vor.u32 v8, v57;
	[tilespmem:v24+s7+$0x0] =	vst.idx.add.f32.msk vm10, v1  }
0xb3: {  	[tilespmem:v40+s7+$0x0] =	vst.idx.add.f32.msk vm11, v1  }
0xb4: {  	[tilespmem:v12+s7+$0x0] =	vst.idx.add.f32.msk vm14, v1  }
0xb5: {  	[tilespmem:v13+s7+$0x0] =	vst.idx.add.f32.msk vm15, v1  }
0xb6: {  	[tilespmem:v10+s7+$0x0] =	vst.idx.add.f32.msk vm12, v1  }
0xb7: {  	[tilespmem:v11+s7+$0x0] =	vst.idx.add.f32.msk vm13, v1  }
0xb8: {  	s29 =	sor.u32 $0x60, s25;
	v12 =	vld [tilespmem:s21+$0x20]  }
0xb9: {  	v13 =	vld [tilespmem:s29+$0x0]  }
0xba: {  	s30 =	sor.u32 $0x60, s9;
	v10 =	vld [tilespmem:s21+$0xA0]  }
0xbb: {  	v11 =	vld [tilespmem:s30+$0x0];
	_ =	sdelay $0x1  }
0xbc: {  	v58 =	vshll.u32 v12, $0x3  }
0xbd: {  	v59 =	vand.u32 $0xFF, v12;
	v60 =	vand.u32 $0x7F, v12;
	v63 =	vshll.u32 v13, $0x3  }
0xbe: {  	v20 =	vand.u32 $0x7F, v13;
	v21 =	vand.u32 $0xFF, v13;
	v22 =	vand.u32 $0xFF, v10  }
0xbf: {  	v23 =	vshll.u32 v10, $0x3;
	v24 =	vand.u32 $0x7F, v10;
	v25 =	vshll.u32 v11, $0x3  }
0xc0: {  	v26 =	vand.u32 $0x7F, v11;
	v27 =	vand.u32 $0xFF, v11;
	v28 =	vshrl.u32 v12, $0x8  }
0xc1: {  	v29 =	vand.u32 $0xFF00, v12;
	v30 =	vshrl.u32 v12, $0x5;
	v31 =	vshrl.u32 v13, $0x8  }
0xc2: {  	v32 =	vshrl.u32 v13, $0x5;
	v35 =	vand.u32 $0xFF00, v13;
	v36 =	vshrl.u32 v10, $0x8  }
0xc3: {  	v37 =	vand.u32 $0xFF00, v10;
	v38 =	vshrl.u32 v10, $0x5;
	v39 =	vshrl.u32 v11, $0x8  }
0xc4: {  	v40 =	vshrl.u32 v11, $0x5;
	v43 =	vand.u32 $0xFF00, v11;
	v44 =	vshrl.u32 v12, $0x10  }
0xc5: {  	v45 =	vand.u32 $0xFF0000, v12;
	v46 =	vshrl.u32 v12, $0xD;
	v47 =	vshrl.u32 v13, $0x10  }
0xc6: {  	v48 =	vshrl.u32 v13, $0xD;
	v51 =	vand.u32 $0xFF0000, v13;
	v52 =	vshrl.u32 v10, $0x10  }
0xc7: {  	v53 =	vand.u32 $0xFF0000, v10;
	v54 =	vshrl.u32 v10, $0xD;
	v56 =	vshrl.u32 v11, $0x10  }
0xc8: {  	v57 =	vshrl.u32 v11, $0xD;
	v61 =	vand.u32 $0x400, v58;
	vm0 =	vlt.u32 v59, $0xC9  }
0xc9: {  	v15 =	vand.u32 $0x400, v63;
	vm1 =	vlt.u32 v21, $0xC9;
	vm2 =	vlt.u32 v22, $0xC9  }
0xca: {  	v16 =	vand.u32 $0x400, v23;
	v18 =	vand.u32 $0x400, v25;
	vm14 =	vlt.u32 v27, $0xC9  }
0xcb: {  	vm15 =	vlt.u32 v29, $0xC900;
	v19 =	vand.u32 $0x400, v30;
	v33 =	vand.u32 $0x7F, v31  }
0xcc: {  	v34 =	vand.u32 $0x400, v32;
	vm5 =	vlt.u32 v35, $0xC900;
	vm6 =	vlt.u32 v37, $0xC900  }
0xcd: {  	v21 =	vand.u32 $0x400, v38;
	v41 =	vand.u32 $0x7F, v39;
	v42 =	vand.u32 $0x400, v40  }
0xce: {  	vm7 =	vlt.u32 v43, $0xC900;
	vm8 =	vlt.u32 v45, $0xC90000;
	v22 =	vand.u32 $0x7F, v44  }
0xcf: {  	v23 =	vand.u32 $0x400, v46;
	v49 =	vand.u32 $0x7F, v47;
	v50 =	vand.u32 $0x400, v48  }
0xd0: {  	vm9 =	vlt.u32 v51, $0xC90000;
	vm12 =	vlt.u32 v53, $0xC90000;
	v55 =	vand.u32 $0x400, v54  }
0xd1: {  	v25 =	vand.u32 $0x7F, v56;
	v58 =	vand.u32 $0xFF0000, v11;
	v29 =	vshrl.u32 v13, $0x18  }
0xd2: {  	v35 =	vshrl.u32 v10, $0x15;
	v37 =	vshrl.u32 v11, $0x18;
	v62 =	vor.u32 v61, v60  }
0xd3: {  	v15 =	vor.u32 v15, v20;
	v16 =	vor.u32 v16, v24;
	v17 =	vor.u32 v18, v26  }
0xd4: {  	v18 =	vand.u32 $0x7F, v28;
	v20 =	vand.u32 $0x7F, v36;
	v22 =	vor.u32 v23, v22  }
0xd5: {  	v23 =	vor.u32 v50, v49;
	v24 =	vand.u32 $0x7F, v52;
	v26 =	vand.u32 $0x400, v57  }
0xd6: {  	vm13 =	vlt.u32 v58, $0xC90000;
	v60 =	vshrl.u32 v12, $0x18;
	v61 =	vshrl.u32 v12, $0x15  }
0xd7: {  	v28 =	vshrl.u32 v13, $0x15;
	v14 =	vor.u32 v9, v62;
	v15 =	vor.u32 v5, v15  }
0xd8: {  	v16 =	vor.u32 v2, v16;
	v17 =	vor.u32 v6, v17;
	v18 =	vor.u32 v19, v18  }
0xd9: {  	v19 =	vor.u32 v34, v33;
	v20 =	vor.u32 v21, v20;
	v21 =	vor.u32 v42, v41  }
0xda: {  	v22 =	vor.u32 v9, v22;
	v23 =	vor.u32 v5, v23;
	v14 =	vor.u32 v7, v14  }
0xdb: {  	v24 =	vor.u32 v55, v24;
	v25 =	vor.u32 v26, v25;
	v15 =	vor.u32 v4, v15  }
0xdc: {  	v16 =	vor.u32 v3, v16;
	v17 =	vor.u32 v8, v17;
	v18 =	vor.u32 v9, v18  }
0xdd: {  	v19 =	vor.u32 v5, v19;
	v20 =	vor.u32 v2, v20;
	v21 =	vor.u32 v6, v21  }
0xde: {  	v22 =	vor.u32 v7, v22;
	v23 =	vor.u32 v4, v23;
	v18 =	vor.u32 v7, v18  }
0xdf: {  	v36 =	vshrl.u32 v11, $0x15;
	v24 =	vor.u32 v2, v24;
	v19 =	vor.u32 v4, v19;
	[tilespmem:v14+s7+$0x0] =	vst.idx.add.f32.msk vm0, v1  }
0xe0: {  	v30 =	vand.u32 $0x400, v28;
	v25 =	vor.u32 v6, v25;
	v20 =	vor.u32 v3, v20;
	[tilespmem:v15+s7+$0x0] =	vst.idx.add.f32.msk vm1, v1  }
0xe1: {  	v62 =	vand.u32 $0x7F, v60;
	v32 =	vor.u32 v30, v29;
	v21 =	vor.u32 v8, v21;
	[tilespmem:v16+s7+$0x0] =	vst.idx.add.f32.msk vm2, v1  }
0xe2: {  	v63 =	vand.u32 $0x400, v61;
	v24 =	vor.u32 v3, v24;
	v59 =	vor.u32 v8, v25;
	[tilespmem:v17+s7+$0x0] =	vst.idx.add.f32.msk vm14, v1  }
0xe3: {  	v34 =	vshrl.u32 v10, $0x18;
	v33 =	vor.u32 v5, v32;
	v15 =	vor.u32 v63, v62;
	[tilespmem:v18+s7+$0x0] =	vst.idx.add.f32.msk vm15, v1  }
0xe4: {  	v31 =	vor.u32 v9, v15;
	v15 =	vand.u32 $0x7F, v34;
	v16 =	vand.u32 $0x400, v35;
	[tilespmem:v19+s7+$0x0] =	vst.idx.add.f32.msk vm5, v1  }
0xe5: {  	vm14 =	vlt.u32 v12, $0xC9000000;
	v12 =	vor.u32 v7, v31;
	v15 =	vor.u32 v16, v15;
	[tilespmem:v20+s7+$0x0] =	vst.idx.add.f32.msk vm6, v1  }
0xe6: {  	v17 =	vand.u32 $0x400, v36;
	vm15 =	vlt.u32 v13, $0xC9000000;
	v13 =	vor.u32 v4, v33;
	[tilespmem:v21+s7+$0x0] =	vst.idx.add.f32.msk vm7, v1  }
0xe7: {  	v38 =	vor.u32 v2, v15;
	v39 =	vor.u32 v17, v37;
	[tilespmem:v22+s7+$0x0] =	vst.idx.add.f32.msk vm8, v1;
	vm8 =	vlt.u32 v10, $0xC9000000  }
0xe8: {  	v40 =	vor.u32 v6, v39;
	v10 =	vor.u32 v3, v38;
	[tilespmem:v23+s7+$0x0] =	vst.idx.add.f32.msk vm9, v1;
	vm9 =	vlt.u32 v11, $0xC9000000  }
0xe9: {  	v11 =	vor.u32 v8, v40;
	[tilespmem:v24+s7+$0x0] =	vst.idx.add.f32.msk vm12, v1  }
0xea: {  	[tilespmem:v59+s7+$0x0] =	vst.idx.add.f32.msk vm13, v1  }
0xeb: {  	[tilespmem:v12+s7+$0x0] =	vst.idx.add.f32.msk vm14, v1  }
0xec: {  	[tilespmem:v13+s7+$0x0] =	vst.idx.add.f32.msk vm15, v1  }
0xed: {  	[tilespmem:v10+s7+$0x0] =	vst.idx.add.f32.msk vm8, v1  }
0xee: {  	[tilespmem:v11+s7+$0x0] =	vst.idx.add.f32.msk vm9, v1  }
0xef: {  	s16 =	sor.u32 $0x70, s25;
	v12 =	vld [tilespmem:s21+$0x30]  }
0xf0: {  	v13 =	vld [tilespmem:s16+$0x0]  }
0xf1: {  	s31 =	sor.u32 $0x70, s9;
	v10 =	vld [tilespmem:s21+$0xB0]  }
0xf2: {  	v11 =	vld [tilespmem:s31+$0x0];
	_ =	sdelay $0x1  }
0xf3: {  	v41 =	vshll.u32 v12, $0x3  }
0xf4: {  	v42 =	vand.u32 $0xFF, v12;
	v43 =	vand.u32 $0x7F, v12;
	v46 =	vshll.u32 v13, $0x3  }
0xf5: {  	v47 =	vand.u32 $0x7F, v13;
	v48 =	vand.u32 $0xFF, v13;
	v49 =	vand.u32 $0xFF, v10  }
0xf6: {  	v50 =	vshll.u32 v10, $0x3;
	v51 =	vand.u32 $0x7F, v10;
	v52 =	vshll.u32 v11, $0x3  }
0xf7: {  	v53 =	vand.u32 $0x7F, v11;
	v54 =	vand.u32 $0xFF, v11;
	v55 =	vshrl.u32 v12, $0x8  }
0xf8: {  	v56 =	vand.u32 $0xFF00, v12;
	v57 =	vshrl.u32 v12, $0x5;
	v58 =	vshrl.u32 v13, $0x8  }
0xf9: {  	v59 =	vshrl.u32 v13, $0x5;
	v60 =	vand.u32 $0xFF00, v13;
	v62 =	vshrl.u32 v10, $0x8  }
0xfa: {  	v63 =	vand.u32 $0xFF00, v10;
	v24 =	vshrl.u32 v10, $0x5;
	v26 =	vshrl.u32 v11, $0x8  }
0xfb: {  	v27 =	vand.u32 $0xFF00, v11;
	v28 =	vshrl.u32 v11, $0x5;
	v29 =	vshrl.u32 v12, $0x10  }
0xfc: {  	v30 =	vshrl.u32 v12, $0xD;
	v31 =	vand.u32 $0xFF0000, v12;
	v33 =	vshrl.u32 v13, $0x10  }
0xfd: {  	v34 =	vand.u32 $0xFF0000, v13;
	v35 =	vshrl.u32 v13, $0xD;
	v37 =	vshrl.u32 v10, $0x10  }
0xfe: {  	v38 =	vshrl.u32 v10, $0xD;
	v39 =	vand.u32 $0xFF0000, v10;
	v40 =	vand.u32 $0xFF0000, v11  }
0xff: {  	v44 =	vand.u32 $0x400, v41;
	vm0 =	vlt.u32 v42, $0xC9;
	v15 =	vand.u32 $0x400, v46  }
0x100: {  	vm1 =	vlt.u32 v48, $0xC9;
	vm12 =	vlt.u32 v49, $0xC9;
	v16 =	vand.u32 $0x400, v50  }
0x101: {  	v18 =	vand.u32 $0x400, v52;
	vm5 =	vlt.u32 v54, $0xC9;
	vm13 =	vlt.u32 v56, $0xC900  }
0x102: {  	v19 =	vand.u32 $0x400, v57;
	v20 =	vand.u32 $0x7F, v58;
	v21 =	vand.u32 $0x400, v59  }
0x103: {  	vm3 =	vlt.u32 v60, $0xC900;
	vm4 =	vlt.u32 v63, $0xC900;
	v25 =	vand.u32 $0x400, v24  }
0x104: {  	vm7 =	vlt.u32 v27, $0xC900;
	v22 =	vand.u32 $0x400, v28;
	v23 =	vand.u32 $0x7F, v29  }
0x105: {  	v24 =	vand.u32 $0x400, v30;
	vm14 =	vlt.u32 v31, $0xC90000;
	vm15 =	vlt.u32 v34, $0xC90000  }
0x106: {  	v36 =	vand.u32 $0x400, v35;
	vm10 =	vlt.u32 v39, $0xC90000;
	v41 =	vshrl.u32 v11, $0x10  }
0x107: {  	vm11 =	vlt.u32 v40, $0xC90000;
	v42 =	vshrl.u32 v11, $0xD;
	v54 =	vshrl.u32 v13, $0x15  }
0x108: {  	v45 =	vor.u32 v44, v43;
	v15 =	vor.u32 v15, v47;
	v16 =	vor.u32 v16, v51  }
0x109: {  	v17 =	vor.u32 v18, v53;
	v18 =	vand.u32 $0x7F, v55;
	v61 =	vor.u32 v21, v20  }
0x10a: {  	v20 =	vand.u32 $0x7F, v62;
	v21 =	vand.u32 $0x7F, v26;
	v32 =	vor.u32 v24, v23  }
0x10b: {  	v23 =	vand.u32 $0x7F, v33;
	v24 =	vand.u32 $0x7F, v37;
	v26 =	vand.u32 $0x7F, v41  }
0x10c: {  	v44 =	vshrl.u32 v12, $0x18;
	v14 =	vor.u32 v9, v45;
	v15 =	vor.u32 v5, v15  }
0x10d: {  	v16 =	vor.u32 v2, v16;
	v17 =	vor.u32 v6, v17;
	v18 =	vor.u32 v19, v18  }
0x10e: {  	v20 =	vor.u32 v25, v20;
	v21 =	vor.u32 v22, v21;
	v23 =	vor.u32 v36, v23  }
0x10f: {  	v25 =	vand.u32 $0x400, v38;
	v45 =	vshrl.u32 v12, $0x15;
	v14 =	vor.u32 v7, v14  }
0x110: {  	v47 =	vand.u32 $0x7F, v44;
	v50 =	vor.u32 v9, v32;
	v15 =	vor.u32 v4, v15  }
0x111: {  	v51 =	vor.u32 v5, v61;
	v16 =	vor.u32 v3, v16;
	v17 =	vor.u32 v8, v17  }
0x112: {  	v24 =	vor.u32 v25, v24;
	v18 =	vor.u32 v9, v18;
	v25 =	vand.u32 $0x400, v42  }
0x113: {  	v52 =	vor.u32 v2, v20;
	v53 =	vor.u32 v6, v21;
	v56 =	vor.u32 v5, v23  }
0x114: {  	v48 =	vand.u32 $0x400, v45;
	v43 =	vor.u32 v25, v26;
	v46 =	vor.u32 v7, v18;
	[tilespmem:v14+s7+$0x0] =	vst.idx.add.f32.msk vm0, v1  }
0x115: {  	v58 =	vshrl.u32 v10, $0x18;
	v49 =	vor.u32 v48, v47;
	v18 =	vor.u32 v3, v52;
	[tilespmem:v15+s7+$0x0] =	vst.idx.add.f32.msk vm1, v1  }
0x116: {  	v55 =	vor.u32 v8, v53;
	[tilespmem:v16+s7+$0x0] =	vst.idx.add.f32.msk vm12, v1;
	vm12 =	vlt.u32 v12, $0xC9000000;
	v12 =	vor.u32 v4, v51  }
0x117: {  	v57 =	vor.u32 v2, v24;
	v9 =	vor.u32 v9, v49;
	v14 =	vor.u32 v6, v43  }
0x118: {  	v59 =	vshrl.u32 v10, $0x15;
	v16 =	vor.u32 v7, v50;
	v7 =	vor.u32 v7, v9;
	[tilespmem:v17+s7+$0x0] =	vst.idx.add.f32.msk vm5, v1  }
0x119: {  	v9 =	vand.u32 $0x400, v54;
	[tilespmem:v46+s7+$0x0] =	vst.idx.add.f32.msk vm13, v1;
	vm13 =	vlt.u32 v13, $0xC9000000;
	v13 =	vshrl.u32 v13, $0x18  }
0x11a: {  	v15 =	vor.u32 v4, v56;
	v14 =	vor.u32 v8, v14;
	v9 =	vor.u32 v9, v13  }
0x11b: {  	v60 =	vshrl.u32 v11, $0x15;
	v5 =	vor.u32 v5, v9;
	v9 =	vor.u32 v3, v57;
	[tilespmem:v12+s7+$0x0] =	vst.idx.add.f32.msk vm3, v1  }
0x11c: {  	v4 =	vor.u32 v4, v5;
	v5 =	vand.u32 $0x7F, v58;
	v12 =	vand.u32 $0x400, v59;
	[tilespmem:v18+s7+$0x0] =	vst.idx.add.f32.msk vm4, v1  }
0x11d: {  	v62 =	vand.u32 $0x400, v60;
	v61 =	vshrl.u32 v11, $0x18;
	v5 =	vor.u32 v12, v5;
	[tilespmem:v55+s7+$0x0] =	vst.idx.add.f32.msk vm7, v1  }
0x11e: {  	v63 =	vor.u32 v62, v61;
	v2 =	vor.u32 v2, v5;
	[tilespmem:v16+s7+$0x0] =	vst.idx.add.f32.msk vm14, v1;
	vm14 =	vlt.u32 v10, $0xC9000000  }
0x11f: {  	v2 =	vor.u32 v3, v2;
	v3 =	vor.u32 v6, v63;
	[tilespmem:v15+s7+$0x0] =	vst.idx.add.f32.msk vm15, v1;
	vm15 =	vlt.u32 v11, $0xC9000000  }
0x120: {  	p1 =	sne.s32 s14, $0x7C00;
	v3 =	vor.u32 v8, v3;
	[tilespmem:v9+s7+$0x0] =	vst.idx.add.f32.msk vm10, v1  }
.Ltmp0:
0x121: {  	[tilespmem:v14+s7+$0x0] =	vst.idx.add.f32.msk vm11, v1;
	(pc) =	sbr.rel @p1 .LBB2_2-.Ltmp0, $4  }
0x122: {  	[tilespmem:v7+s7+$0x0] =	vst.idx.add.f32.msk vm12, v1  }
0x123: {  	s11 =	sadd.s32 $0x4, s11;
	[tilespmem:v4+s7+$0x0] =	vst.idx.add.f32.msk vm13, v1  }
0x124: {  	p0 =	por !p0, !p0;
	s13 =	sadd.s32 $0x200, s13;
	s10 =	sadd.s32 $0x2, s10;
	[tilespmem:v2+s7+$0x0] =	vst.idx.add.f32.msk vm14, v1  }
0x125: {  	s14 =	sadd.s32 $0x400, s14;
	s12 =	sadd.s32 $0x4, s12;
	s9 =	sadd.s32 $0x100, s9;
	[tilespmem:v3+s7+$0x0] =	vst.idx.add.f32.msk vm15, v1  }
0x126: {  	s8 =	sadd.s32 $0x1, s8  }
0x127: {  	p0 =	sne.s32 s8, s5  }
.Ltmp1:
0x128: {  	_ = 	snop;
	(pc) =	sbr.rel @p0 .LBB2_1-.Ltmp1, $4  }
0x129: {  	[hbm4b:s4+s2] =	stream.linear.scatter [tilespmem:s7], [sflag:$0x1], $0x8000, $0x38;
	[tilespmem:$0xA000] =	vst v63  }
0x12a: {  	_ =	swait.ge [sflag:s6], $0x8000  }
0x12b: {  	[sflag:s6] =	ssyncset.done $0x0  }
0x12c: {  	[sflag:s6] =	ssyncadd.s32 $0xFFFF8000  }
0x12d: {  	_ =	sfence.sel $0x180000  }
0x12e: {  	[bflag:$0x0] =	sbarrier.arrive $0xFFFF  }
0x12f: {  	p0 =	sne.s32 s1, $0x0;
	_ =	strace $0x90000047  }
0x130: {  	s0 =	sadd.s32 @!p0 $0x100000, s0;
	[bflag:$0x2] =	sbarrier.arrive $0xFFFF  }
0x131: {  	[sflag:s0] =	ssyncadd.tile.s32 @!p0 $0x1;
	_ =	shalt  }
.Lfunc_end2:
_tile_overlayer_lowered:
.L_overlay_start_2:
0x132: {  	(tag) =	ssettag $0x2  }
0x133: {  	s0 =	rddreg [dreg:$0x0];
	s2 =	stileid.u32  }
0x134: {  	s1 =	rddreg [dreg:$0x1];
	p0 =	sne.s32 s2, $0x0  }
0x135: {  	s3 =	rddreg [dreg:$0x2];
	[bflag:$0x3] =	sbarrier.arrive $0xFFFF;
	s2 =	simm.s32 @!p0 $0x1C01  }
0x136: {  	[timem:s3], [sflag:s2] =	dma.local @!p0 [hbm:s0], s1  }
0x137: {  	s0 =	simm.s32 @!p0 $0x1  }
0x138: {  	_ =	swait.ge @!p0 [sflag:s0], s1  }
0x139: {  	s1 =	ssub.s32 @!p0 $0x0, s1;
	[sflag:s0] =	ssyncset.done @!p0 $0x0  }
0x13a: {  	[sflag:s0] =	ssyncadd.s32 @!p0 s1  }
0x13b: {  	[bflag:$0x3] =	sbarrier.arrive $0xFFFF  }
0x13c: {  	_ =	shalt  }

</sc_bundles>
